<compile_context>
chip_gen: v7x
topology: tpu7x:2x2x1
jax: 0.10.2.dev20260603
libtpu: 0.0.44.dev20260713+nightly
codegen_flags: <defaults>
</compile_context>

<pallas_src>
import functools

import jax
import jax.numpy as jnp
from jax import lax
from jax.experimental import pallas as pl
from jax.experimental.pallas import tpu as pltpu
from jax.experimental.pallas import tpu_sc as plsc

_NC = 2
_NS = 16
_NW = _NC * _NS
_CHUNK = 80


def _mesh():
    return plsc.VectorSubcoreMesh(core_axis_name="c", subcore_axis_name="s")


def _zero_1d(ref, n):
    def f(i, _):
        ref[pl.ds(i * 16, 16)] = jnp.zeros((16,), jnp.float32)
        return 0
    lax.fori_loop(0, n // 16, f, 0)


def _zero_2d(ref, r, cdim):
    def f(i, _):
        ref[i // (cdim // 16), pl.ds((i % (cdim // 16)) * 16, 16)] = (
            jnp.zeros((16,), jnp.float32))
        return 0
    lax.fori_loop(0, r * (cdim // 16), f, 0)


def _make_deg(E, NPAD):
    CH = 128
    nch_all = E // CH
    nch = nch_all // _NW
    tail = nch_all % _NW
    npt = NPAD // _NS
    NB = 8
    LI = 4

    @functools.partial(
        pl.kernel,
        mesh=_mesh(),
        out_type=[
            jax.ShapeDtypeStruct((_NC * NPAD,), jnp.float32),
            jax.ShapeDtypeStruct((_NC * NPAD,), jnp.float32),
        ],
        scratch_types=[
            pltpu.VMEM((NB, 2, CH), jnp.int32),
            pltpu.VMEM((CH,), jnp.float32),
            pltpu.VMEM((npt,), jnp.float32),
            pltpu.SemaphoreType.DMA((NB,)),
            pltpu.SemaphoreType.DMA((NB,)),
            pltpu.SemaphoreType.DMA((NB,)),
            pltpu.VMEM_SHARED((NPAD,), jnp.float32),
            pltpu.VMEM_SHARED((NPAD,), jnp.float32),
        ],
    )
    def deg_kernel(edge_h, dego_h, degi_h, ibuf_v, ones_v,
                   buf_v, sem_e, sem_o, sem_i, dego_sp, degi_sp):
        cid = lax.axis_index("c")
        sid = lax.axis_index("s")
        wid = sid * _NC + cid
        base = wid * nch * CH

        def fill(i, _):
            ones_v[pl.ds(i * 16, 16)] = jnp.ones((16,), jnp.float32)
            return 0
        lax.fori_loop(0, CH // 16, fill, 0)
        _zero_1d(buf_v, npt)

        pltpu.sync_copy(buf_v, dego_sp.at[pl.ds(sid * npt, npt)])
        pltpu.sync_copy(buf_v, degi_sp.at[pl.ds(sid * npt, npt)])
        plsc.subcore_barrier()

        def fire_idx(j, b):
            pltpu.async_copy(edge_h.at[:, pl.ds(base + j * CH, CH)],
                             ibuf_v.at[b], sem_e.at[b])

        def drain_idx(j, b):
            pltpu.make_async_copy(edge_h.at[:, pl.ds(base + j * CH, CH)],
                                  ibuf_v.at[b], sem_e.at[b]).wait()

        def fire_sc(j, b):
            pltpu.async_copy(ones_v, dego_sp.at[ibuf_v.at[b, 0]],
                             sem_o.at[b], add=True)
            pltpu.async_copy(ones_v, degi_sp.at[ibuf_v.at[b, 1]],
                             sem_i.at[b], add=True)

        def drain_sc(j, b):
            pltpu.make_async_copy(ones_v, dego_sp.at[ibuf_v.at[b, 0]],
                                  sem_o.at[b]).wait()
            pltpu.make_async_copy(ones_v, degi_sp.at[ibuf_v.at[b, 1]],
                                  sem_i.at[b]).wait()

        for j in range(LI):
            fire_idx(j, j)

        def step(j, _):
            bn = lax.rem(j + LI, NB)

            @pl.when(j + LI >= NB)
            def _():
                drain_sc(j + LI - NB, bn)

            @pl.when(j + LI < nch)
            def _():
                fire_idx(j + LI, bn)

            b = lax.rem(j, NB)
            drain_idx(j, b)
            fire_sc(j, b)
            return 0
        lax.fori_loop(0, nch, step, 0)
        for j in range(max(0, nch - (NB - LI)), nch):
            drain_sc(j, j % NB)

        @pl.when(wid < tail)
        def _():
            off = (nch * _NW + wid) * CH
            pltpu.sync_copy(edge_h.at[:, pl.ds(off, CH)], ibuf_v.at[0])
            pltpu.sync_copy(ones_v, dego_sp.at[ibuf_v.at[0, 0]], add=True)
            pltpu.sync_copy(ones_v, degi_sp.at[ibuf_v.at[0, 1]], add=True)
        plsc.subcore_barrier()

        pltpu.sync_copy(dego_sp.at[pl.ds(sid * npt, npt)], buf_v)
        pltpu.sync_copy(buf_v, dego_h.at[pl.ds(cid * NPAD + sid * npt, npt)])
        pltpu.sync_copy(degi_sp.at[pl.ds(sid * npt, npt)], buf_v)
        pltpu.sync_copy(buf_v, degi_h.at[pl.ds(cid * NPAD + sid * npt, npt)])

    return deg_kernel


def _make_mm(NPAD, D, BR=2048):
    def body(x_ref, w1_ref, dgo0, dgo1, dgi0, dgi1, yn_ref, ns_ref, nd_ref):
        ns = lax.rsqrt(jnp.maximum(dgo0[...] + dgo1[...], 1.0))
        nd = lax.rsqrt(jnp.maximum(dgi0[...] + dgi1[...], 1.0))
        ns_ref[...] = ns
        nd_ref[...] = nd
        yn_ref[...] = jnp.dot(x_ref[...], w1_ref[...],
                              preferred_element_type=jnp.float32) * ns[:, None]

    grid = NPAD // BR
    nb = NPAD // BR
    return pl.pallas_call(
        body,
        grid=(grid,),
        in_specs=[
            pl.BlockSpec((BR, D), lambda i: (i, 0)),
            pl.BlockSpec((D, D), lambda i: (0, 0)),
            pl.BlockSpec((BR,), lambda i: (i,)),
            pl.BlockSpec((BR,), lambda i: (i + nb,)),
            pl.BlockSpec((BR,), lambda i: (i,)),
            pl.BlockSpec((BR,), lambda i: (i + nb,)),
        ],
        out_specs=[
            pl.BlockSpec((BR, D), lambda i: (i, 0)),
            pl.BlockSpec((BR,), lambda i: (i,)),
            pl.BlockSpec((BR,), lambda i: (i,)),
        ],
        out_shape=[
            jax.ShapeDtypeStruct((NPAD, D), jnp.float32),
            jax.ShapeDtypeStruct((NPAD,), jnp.float32),
            jax.ShapeDtypeStruct((NPAD,), jnp.float32),
        ],
    )


def _make_prop(E, NPAD, D, KB, nblk):
    ept = E // _NW
    nch = ept // _CHUNK
    npt = NPAD // _NS
    nwo = npt // _CHUNK

    NBUF = 3
    LA = 1

    @functools.partial(
        pl.kernel,
        mesh=_mesh(),
        out_type=[
            jax.ShapeDtypeStruct((_NC, NPAD, D), jnp.float32),
            jax.ShapeDtypeStruct((_NC * NPAD,), jnp.float32),
        ],
        scratch_types=[
            pltpu.VMEM((KB, _CHUNK), jnp.int32),
            pltpu.VMEM((KB, _CHUNK), jnp.int32),
            pltpu.VMEM((NBUF, _CHUNK, D), jnp.float32),
            pltpu.VMEM((NBUF, _CHUNK), jnp.float32),
            pltpu.SemaphoreType.DMA((NBUF,)),
            pltpu.SemaphoreType.DMA((NBUF,)),
            pltpu.SemaphoreType.DMA((NBUF,)),
            pltpu.SemaphoreType.DMA((NBUF,)),
            pltpu.VMEM_SHARED((NPAD, D), jnp.float32),
            pltpu.VMEM_SHARED((NPAD,), jnp.float32),
        ],
    )
    def prop_kernel(edge_h, yn_h, nd_h, agg_h, s_h,
                    isrc_v, idst_v, rows_v, nval_v, sem_r, sem_n,
                    sem_w, sem_x, agg_sp, s_sp):
        cid = lax.axis_index("c")
        sid = lax.axis_index("s")
        wid = sid * _NC + cid

        _zero_2d(rows_v.at[0], _CHUNK, D)
        _zero_1d(nval_v.at[0], _CHUNK)

        def zstep(k, _):
            off = pl.multiple_of(sid * npt + k * _CHUNK, _CHUNK)
            pltpu.sync_copy(rows_v.at[0], agg_sp.at[pl.ds(off, _CHUNK)])
            pltpu.sync_copy(nval_v.at[0], s_sp.at[pl.ds(off, _CHUNK)])
            return 0
        lax.fori_loop(0, nwo, zstep, 0)
        plsc.subcore_barrier()

        def fire_gather(j, b):
            pltpu.async_copy(yn_h.at[isrc_v.at[j]], rows_v.at[b], sem_r.at[b])
            pltpu.async_copy(nd_h.at[idst_v.at[j]], nval_v.at[b], sem_n.at[b])

        def drain_gather(j, b):
            pltpu.make_async_copy(yn_h.at[isrc_v.at[j]], rows_v.at[b],
                                  sem_r.at[b]).wait()
            pltpu.make_async_copy(nd_h.at[idst_v.at[j]], nval_v.at[b],
                                  sem_n.at[b]).wait()

        def fire_scatter(j, b):
            pltpu.async_copy(rows_v.at[b], agg_sp.at[idst_v.at[j]],
                             sem_w.at[b], add=True)
            pltpu.async_copy(nval_v.at[b], s_sp.at[isrc_v.at[j]],
                             sem_x.at[b], add=True)

        def drain_scatter(j, b):
            pltpu.make_async_copy(rows_v.at[b], agg_sp.at[idst_v.at[j]],
                                  sem_w.at[b]).wait()
            pltpu.make_async_copy(nval_v.at[b], s_sp.at[isrc_v.at[j]],
                                  sem_x.at[b]).wait()

        def block(bi, _):
            pltpu.sync_copy(edge_h.at[0, wid, bi], isrc_v)
            pltpu.sync_copy(edge_h.at[1, wid, bi], idst_v)
            for j in range(LA):
                fire_gather(j, j)

            def step(j, _):
                bn = lax.rem(j + LA, NBUF)

                @pl.when(j + LA >= NBUF)
                def _():
                    drain_scatter(j + LA - NBUF, bn)

                @pl.when(j + LA < KB)
                def _():
                    fire_gather(j + LA, bn)

                b = lax.rem(j, NBUF)
                drain_gather(j, b)
                fire_scatter(j, b)
                return 0
            lax.fori_loop(0, KB, step, 0)
            for j in range(KB - (NBUF - LA), KB):
                drain_scatter(j, j % NBUF)
            return 0
        lax.fori_loop(0, nblk, block, 0)
        plsc.subcore_barrier()

        def wstep(k, _):
            off = pl.multiple_of(sid * npt + k * _CHUNK, _CHUNK)
            pltpu.sync_copy(agg_sp.at[pl.ds(off, _CHUNK)], rows_v.at[0])
            pltpu.sync_copy(rows_v.at[0], agg_h.at[cid, pl.ds(off, _CHUNK)])
            pltpu.sync_copy(s_sp.at[pl.ds(off, _CHUNK)], nval_v.at[0])
            pltpu.sync_copy(nval_v.at[0],
                            s_h.at[pl.ds(cid * NPAD + off, _CHUNK)])
            return 0
        lax.fori_loop(0, nwo, wstep, 0)

    return prop_kernel


def _make_final(NPAD, D, C, n_true, BR=2048):
    grid = NPAD // BR
    inv_n = 1.0 / float(n_true)

    nb = NPAD // BR

    def body(ap_ref, s0, s1, ns_ref, nd_ref, b1_ref, w2_ref, b2_ref,
             out_ref, acc_ref):
        i = pl.program_id(0)

        @pl.when(i == 0)
        def _():
            acc_ref[...] = jnp.zeros_like(acc_ref)

        agg = ap_ref[0] + ap_ref[1]
        h1 = jnp.maximum(agg * nd_ref[...][:, None] + b1_ref[...], 0.0)
        c = (s0[...] + s1[...]) * ns_ref[...]
        acc_ref[...] += jnp.sum(c[:, None] * h1, axis=0, keepdims=True)

        @pl.when(i == grid - 1)
        def _():
            v = acc_ref[...]
            out_ref[...] = jnp.dot(v, w2_ref[...],
                                   preferred_element_type=jnp.float32) * inv_n \
                + b2_ref[...]

    return pl.pallas_call(
        body,
        grid=(grid,),
        in_specs=[
            pl.BlockSpec((_NC, BR, D), lambda i: (0, i, 0)),
            pl.BlockSpec((BR,), lambda i: (i,)),
            pl.BlockSpec((BR,), lambda i: (i + nb,)),
            pl.BlockSpec((BR,), lambda i: (i,)),
            pl.BlockSpec((BR,), lambda i: (i,)),
            pl.BlockSpec((1, D), lambda i: (0, 0)),
            pl.BlockSpec((D, C), lambda i: (0, 0)),
            pl.BlockSpec((1, C), lambda i: (0, 0)),
        ],
        out_specs=pl.BlockSpec((1, C), lambda i: (0, 0)),
        out_shape=jax.ShapeDtypeStruct((1, C), jnp.float32),
        scratch_shapes=[pltpu.VMEM((1, D), jnp.float32)],
    )


def kernel(x, edge_index, W1, b1, W2, b2):
    N, D = x.shape
    E = edge_index.shape[1]
    C = W2.shape[1]
    npt = -(-N // _NS)
    npt = -(-npt // _CHUNK) * _CHUNK
    NPAD = npt * _NS

    ept = E // _NW
    nch = ept // _CHUNK
    KB = 25
    nblk = nch // KB
    edge5 = edge_index.reshape(2, _NW, nblk, KB, _CHUNK)

    dego_p, degi_p = _make_deg(E, NPAD)(edge_index)
    yn, ns, nd = _make_mm(NPAD, D)(x, W1, dego_p, dego_p, degi_p, degi_p)
    agg_p, s_p = _make_prop(E, NPAD, D, KB, nblk)(edge5, yn, nd)
    out = _make_final(NPAD, D, C, N)(
        agg_p, s_p, s_p, ns, nd, b1.reshape(1, D), W2, b2.reshape(1, C))
    return out

# --- scband reference (transcript-rebuilt; emitter-appended) ---
"""Pipeline reference for scband-gcn-classic-77335181132448 (READ-ONLY COPY).

The authoritative reference and input builder live on the scoring server;
editing this copy changes nothing except your own understanding.
"""

import jax, jax.numpy as jnp
import numpy as np

N = 10000
E = 320000
D_IN = 128
D_H = 128
N_CLASSES = 16


def setup_inputs(seed: int = 0) -> dict:
    key = jax.random.key(seed)
    ks = jax.random.split(key, 6)
    x = jax.random.normal(ks[0], (N, D_IN), dtype=jnp.float32)
    edge_index = jax.random.randint(ks[1], (2, E), 0, N, dtype=jnp.int32)
    W1 = jax.random.normal(ks[2], (D_IN, D_H), dtype=jnp.float32) * (1.0 / np.sqrt(D_IN))
    b1 = jnp.zeros((D_H,), dtype=jnp.float32)
    W2 = jax.random.normal(ks[3], (D_H, N_CLASSES), dtype=jnp.float32) * (1.0 / np.sqrt(D_H))
    b2 = jnp.zeros((N_CLASSES,), dtype=jnp.float32)
    return {"x": x, "edge_index": edge_index, "W1": W1, "b1": b1, "W2": W2, "b2": b2}


def _graph_conv(x, src, dst, W, b, n):
    # DGL GraphConv with norm='both': h_i = b + sum_{j->i} (1/sqrt(d_out(j) d_in(i))) x_j W
    ones = jnp.ones((src.shape[0],), dtype=x.dtype)
    deg_out = jnp.zeros((n,), dtype=x.dtype).at[src].add(ones)
    deg_in = jnp.zeros((n,), dtype=x.dtype).at[dst].add(ones)
    norm_src = jax.lax.rsqrt(jnp.clip(deg_out, 1.0, None))
    norm_dst = jax.lax.rsqrt(jnp.clip(deg_in, 1.0, None))
    h = (x * norm_src[:, None]) @ W
    msgs = jnp.take(h, src, axis=0)
    agg = jnp.zeros((n, h.shape[1]), dtype=x.dtype).at[dst].add(msgs)
    return agg * norm_dst[:, None] + b


def reference(x, edge_index, W1, b1, W2, b2):
    src = edge_index[0]
    dst = edge_index[1]
    h = _graph_conv(x, src, dst, W1, b1, N)
    h = jax.nn.relu(h)
    h = _graph_conv(h, src, dst, W2, b2, N)
    # dgl.mean_nodes over a single graph -> [1, num_classes]
    return jnp.mean(h, axis=0, keepdims=True)

if __name__ == "__main__":
    import jax
    _d = setup_inputs()
    print(jax.jit(kernel)(*tuple(_d.values())))

</pallas_src>

<mosaic_0001>
#map = affine_map<(d0, d1) -> (0, 0, 0, 0, 0)>
#map1 = affine_map<(d0, d1) -> (0, 0)>
#map2 = affine_map<(d0, d1) -> (0)>
#map3 = affine_map<(d0, d1) -> (0, 0, 0)>
module attributes {stable_mosaic.version = 14 : i64} {
  func.func @prop_kernel(%arg0: i32, %arg1: i32, %arg2: memref<2x32x5x25x80xi32, #tpu.memory_space<hbm>>, %arg3: memref<10240x128xf32, #tpu.memory_space<hbm>>, %arg4: memref<10240xf32, #tpu.memory_space<hbm>>, %arg5: memref<2x10240x128xf32, #tpu.memory_space<hbm>>, %arg6: memref<20480xf32, #tpu.memory_space<hbm>>, %arg7: memref<25x80xi32, #tpu.memory_space<vmem>>, %arg8: memref<25x80xi32, #tpu.memory_space<vmem>>, %arg9: memref<3x80x128xf32, #tpu.memory_space<vmem>>, %arg10: memref<3x80xf32, #tpu.memory_space<vmem>>, %arg11: memref<3x!tpu.dma_semaphore, #tpu.memory_space<semaphore_mem>>, %arg12: memref<3x!tpu.dma_semaphore, #tpu.memory_space<semaphore_mem>>, %arg13: memref<3x!tpu.dma_semaphore, #tpu.memory_space<semaphore_mem>>, %arg14: memref<3x!tpu.dma_semaphore, #tpu.memory_space<semaphore_mem>>, %arg15: memref<10240x128xf32, #tpu.memory_space<vmem_shared>>, %arg16: memref<10240xf32, #tpu.memory_space<vmem_shared>>) attributes {dimension_semantics = [#tpu.dimension_semantics<core_parallel>, #tpu.dimension_semantics<subcore_parallel>], iteration_bounds = array<i64: 2, 16>, scalar_prefetch = 0 : i64, scratch_operands = 10 : i64, tpu.core_type = #tpu.core_type<sc_vector_subcore>, window_params = [{transform_indices = #map}, {transform_indices = #map1}, {transform_indices = #map2}, {transform_indices = #map3}, {transform_indices = #map2}]} {
    %mul3A = arith.constant 2 : i32
    %mul3A_0 = arith.muli %arg1, %mul3A : i32
    %add3A = arith.addi %mul3A_0, %arg0 : i32
    %scan3A = arith.constant 0 : i32
    %scan3A_1 = arith.constant 0 : i32
    %scan3A_2 = arith.constant 0 : i32
    %scan3A_3 = arith.constant 640 : i32
    %scan3A_4 = arith.addi %scan3A_2, %scan3A_3 : i32
    %scan3A_5 = arith.constant 1 : i32
    %scan3A_6 = scf.for %scan3A_38 = %scan3A_2 to %scan3A_4 step %scan3A_5 iter_args(%scan3A_39 = %scan3A_1) -> (i32)  : i32 {
      %broadcast_in_dim3A = arith.constant 0.000000e+00 : f32
      %broadcast_in_dim3A_40 = vector.broadcast %broadcast_in_dim3A : f32 to vector<16xf32>
      %jit3A = arith.constant 8 : i32
      %div3A = arith.divsi %scan3A_38, %jit3A : i32
      %sign3A = arith.constant 0 : i32
      %sign3A_41 = arith.cmpi sgt, %scan3A_38, %sign3A : i32
      %sign3A_42 = arith.extui %sign3A_41 : i1 to i32
      %sign3A_43 = arith.constant 0 : i32
      %sign3A_44 = arith.cmpi slt, %scan3A_38, %sign3A_43 : i32
      %sign3A_45 = arith.extui %sign3A_44 : i1 to i32
      %sign3A_46 = arith.subi %sign3A_42, %sign3A_45 : i32
      %sign3A_47 = arith.constant 0 : i32
      %sign3A_48 = arith.cmpi sgt, %jit3A, %sign3A_47 : i32
      %sign3A_49 = arith.extui %sign3A_48 : i1 to i32
      %sign3A_50 = arith.constant 0 : i32
      %sign3A_51 = arith.cmpi slt, %jit3A, %sign3A_50 : i32
      %sign3A_52 = arith.extui %sign3A_51 : i1 to i32
      %sign3A_53 = arith.subi %sign3A_49, %sign3A_52 : i32
      %ne3A = arith.cmpi ne, %sign3A_46, %sign3A_53 : i32
      %rem3A = arith.remsi %scan3A_38, %jit3A : i32
      %ne3A_54 = arith.constant 0 : i32
      %ne3A_55 = arith.cmpi ne, %rem3A, %ne3A_54 : i32
      %and3A = arith.andi %ne3A, %ne3A_55 : i1
      %sub3A = arith.constant 1 : i32
      %sub3A_56 = arith.subi %div3A, %sub3A : i32
      %select_n3A = arith.select %and3A, %sub3A_56, %div3A : i32
      %jit3A_57 = arith.constant 8 : i32
      %eq3A = arith.constant 0 : i32
      %eq3A_58 = arith.cmpi eq, %jit3A_57, %eq3A : i32
      %jit3A_59 = arith.constant 1 : i32
      %select_n3A_60 = arith.select %eq3A_58, %jit3A_59, %jit3A_57 : i32
      %rem3A_61 = arith.remsi %scan3A_38, %select_n3A_60 : i32
      %ne3A_62 = arith.constant 0 : i32
      %ne3A_63 = arith.cmpi ne, %rem3A_61, %ne3A_62 : i32
      %lt3A = arith.constant 0 : i32
      %lt3A_64 = arith.cmpi slt, %rem3A_61, %lt3A : i32
      %lt3A_65 = arith.constant 0 : i32
      %lt3A_66 = arith.cmpi slt, %select_n3A_60, %lt3A_65 : i32
      %ne3A_67 = arith.xori %lt3A_64, %lt3A_66 : i1
      %and3A_68 = arith.andi %ne3A_67, %ne3A_63 : i1
      %add3A_69 = arith.addi %rem3A_61, %select_n3A_60 : i32
      %select_n3A_70 = arith.select %and3A_68, %add3A_69, %rem3A_61 : i32
      %mul3A_71 = arith.constant 16 : i32
      %mul3A_72 = arith.muli %select_n3A_70, %mul3A_71 : i32
      %swap3A = arith.constant 0 : i32
      %swap3A_73 = arith.constant 0 : i32
      %swap3A_74 = tpu.memref_slice %arg9[%scan3A, %swap3A, %swap3A_73] : memref<3x80x128xf32, #tpu.memory_space<vmem>> -> memref<1x80x128xf32, #tpu.memory_space<vmem>>
      %swap3A_75 = tpu.memref_squeeze %swap3A_74 : memref<1x80x128xf32, #tpu.memory_space<vmem>> -> memref<80x128xf32, #tpu.memory_space<vmem>>
      %swap3A_76 = arith.index_cast %select_n3A : i32 to index
      %swap3A_77 = arith.index_cast %mul3A_72 : i32 to index
      %swap3A_78 = tpu.vector_load %swap3A_75[%swap3A_76, %swap3A_77] {strides = array<i32>} : memref<80x128xf32, #tpu.memory_space<vmem>>, vector<1x16xf32>,
      %swap3A_79 = vector.shape_cast %swap3A_78 : vector<1x16xf32> to vector<16xf32>
      %swap3A_80 = vector.shape_cast %broadcast_in_dim3A_40 : vector<16xf32> to vector<1x16xf32>
      tpu.vector_store %swap3A_75[%swap3A_76, %swap3A_77], %swap3A_80 {strides = array<i32>} : memref<80x128xf32, #tpu.memory_space<vmem>>, vector<1x16xf32>,
      %scan3A_81 = arith.constant 0 : i32
      scf.yield %scan3A_81 : i32
    }
    %scan3A_7 = arith.constant 640 : i32
    %scan3A_8 = arith.constant 0 : i32
    %scan3A_9 = arith.constant 0 : i32
    %scan3A_10 = arith.constant 0 : i32
    %scan3A_11 = arith.constant 5 : i32
    %scan3A_12 = arith.addi %scan3A_10, %scan3A_11 : i32
    %scan3A_13 = arith.constant 1 : i32
    %scan3A_14 = scf.for %scan3A_38 = %scan3A_10 to %scan3A_12 step %scan3A_13 iter_args(%scan3A_39 = %scan3A_9) -> (i32)  : i32 {
      %broadcast_in_dim3A = arith.constant 0.000000e+00 : f32
      %broadcast_in_dim3A_40 = vector.broadcast %broadcast_in_dim3A : f32 to vector<16xf32>
      %mul3A_41 = arith.constant 16 : i32
      %mul3A_42 = arith.muli %scan3A_38, %mul3A_41 : i32
      %swap3A = arith.constant 0 : i32
      %swap3A_43 = tpu.memref_slice %arg10[%scan3A_8, %swap3A] : memref<3x80xf32, #tpu.memory_space<vmem>> -> memref<1x80xf32, #tpu.memory_space<vmem>>
      %swap3A_44 = tpu.memref_squeeze %swap3A_43 : memref<1x80xf32, #tpu.memory_space<vmem>> -> memref<80xf32, #tpu.memory_space<vmem>>
      %swap3A_45 = arith.index_cast %mul3A_42 : i32 to index
      %swap3A_46 = tpu.vector_load %swap3A_44[%swap3A_45] {strides = array<i32>} : memref<80xf32, #tpu.memory_space<vmem>>, vector<16xf32>,
      %swap3A_47 = vector.shape_cast %swap3A_46 : vector<16xf32> to vector<16xf32>
      %swap3A_48 = vector.shape_cast %broadcast_in_dim3A_40 : vector<16xf32> to vector<16xf32>
      tpu.vector_store %swap3A_44[%swap3A_45], %swap3A_48 {strides = array<i32>} : memref<80xf32, #tpu.memory_space<vmem>>, vector<16xf32>,
      %scan3A_49 = arith.constant 0 : i32
      scf.yield %scan3A_49 : i32
    }
    %scan3A_15 = arith.constant 5 : i32
    %scan3A_16 = arith.constant 0 : i32
    %scan3A_17 = arith.constant 0 : i32
    %scan3A_18 = arith.constant 8 : i32
    %scan3A_19 = arith.addi %scan3A_17, %scan3A_18 : i32
    %scan3A_20 = arith.constant 1 : i32
    %scan3A_21 = scf.for %scan3A_38 = %scan3A_17 to %scan3A_19 step %scan3A_20 iter_args(%scan3A_39 = %scan3A_16) -> (i32)  : i32 {
      %mul3A_40 = arith.constant 640 : i32
      %mul3A_41 = arith.muli %arg1, %mul3A_40 : i32
      %mul3A_42 = arith.constant 80 : i32
      %mul3A_43 = arith.muli %scan3A_38, %mul3A_42 : i32
      %add3A_44 = arith.addi %mul3A_41, %mul3A_43 : i32
      %multiple_of3A = tpu.assume_multiple %add3A_44, 80 : i32
      %run_scoped3A = arith.constant 0 : i32
      "tpu.region"() ({
        %run_scoped3A_47 = tpu.sem_alloc : memref<!tpu.dma_semaphore, #tpu.memory_space<semaphore_mem>>
        %dma_start3A = arith.constant 0 : i32
        %dma_start3A_48 = arith.constant 0 : i32
        %dma_start3A_49 = tpu.memref_slice %arg9[%run_scoped3A, %dma_start3A, %dma_start3A_48] : memref<3x80x128xf32, #tpu.memory_space<vmem>> -> memref<1x80x128xf32, #tpu.memory_space<vmem>>
        %dma_start3A_50 = tpu.memref_squeeze %dma_start3A_49 : memref<1x80x128xf32, #tpu.memory_space<vmem>> -> memref<80x128xf32, #tpu.memory_space<vmem>>
        %dma_start3A_51 = arith.constant 0 : i32
        %dma_start3A_52 = tpu.memref_slice %arg15[%multiple_of3A, %dma_start3A_51] : memref<10240x128xf32, #tpu.memory_space<vmem_shared>> -> memref<80x128xf32, #tpu.memory_space<vmem_shared>>
        %dma_start3A_53 = arith.constant 0 : i32
        %dma_start3A_54 = tpu.memref_slice %arg15[%multiple_of3A, %dma_start3A_53] : memref<10240x128xf32, #tpu.memory_space<vmem_shared>> -> memref<80x128xf32, #tpu.memory_space<vmem_shared>>
        %dma_start3A_55 = arith.constant 0 : i32
        %dma_start3A_56 = arith.constant 0 : i32
        %dma_start3A_57 = tpu.memref_slice %arg9[%run_scoped3A, %dma_start3A_55, %dma_start3A_56] : memref<3x80x128xf32, #tpu.memory_space<vmem>> -> memref<1x80x128xf32, #tpu.memory_space<vmem>>
        %dma_start3A_58 = tpu.memref_squeeze %dma_start3A_57 : memref<1x80x128xf32, #tpu.memory_space<vmem>> -> memref<80x128xf32, #tpu.memory_space<vmem>>
        tpu.enqueue_dma source(%dma_start3A_58 : memref<80x128xf32, #tpu.memory_space<vmem>>) target(%dma_start3A_54 : memref<80x128xf32, #tpu.memory_space<vmem_shared>>) target_semaphore(%run_scoped3A_47 : memref<!tpu.dma_semaphore, #tpu.memory_space<semaphore_mem>>)
        %dma_wait3A = arith.constant 0 : i32
        %dma_wait3A_59 = arith.constant 0 : i32
        %dma_wait3A_60 = tpu.memref_slice %arg9[%run_scoped3A, %dma_wait3A, %dma_wait3A_59] : memref<3x80x128xf32, #tpu.memory_space<vmem>> -> memref<1x80x128xf32, #tpu.memory_space<vmem>>
        %dma_wait3A_61 = tpu.memref_squeeze %dma_wait3A_60 : memref<1x80x128xf32, #tpu.memory_space<vmem>> -> memref<80x128xf32, #tpu.memory_space<vmem>>
        %dma_wait3A_62 = arith.constant 0 : i32
        %dma_wait3A_63 = tpu.memref_slice %arg15[%multiple_of3A, %dma_wait3A_62] : memref<10240x128xf32, #tpu.memory_space<vmem_shared>> -> memref<80x128xf32, #tpu.memory_space<vmem_shared>>
        %dma_wait3A_64 = arith.constant 0 : i32
        %dma_wait3A_65 = tpu.memref_slice %arg15[%multiple_of3A, %dma_wait3A_64] : memref<10240x128xf32, #tpu.memory_space<vmem_shared>> -> memref<80x128xf32, #tpu.memory_space<vmem_shared>>
        %dma_wait3A_66 = arith.constant 0 : i32
        %dma_wait3A_67 = arith.constant 0 : i32
        %dma_wait3A_68 = tpu.memref_slice %arg9[%run_scoped3A, %dma_wait3A_66, %dma_wait3A_67] : memref<3x80x128xf32, #tpu.memory_space<vmem>> -> memref<1x80x128xf32, #tpu.memory_space<vmem>>
        %dma_wait3A_69 = tpu.memref_squeeze %dma_wait3A_68 : memref<1x80x128xf32, #tpu.memory_space<vmem>> -> memref<80x128xf32, #tpu.memory_space<vmem>>
        tpu.wait_dma2 semaphore(%run_scoped3A_47 : memref<!tpu.dma_semaphore, #tpu.memory_space<semaphore_mem>>) src(%dma_wait3A_69 : memref<80x128xf32, #tpu.memory_space<vmem>>) dst(%dma_wait3A_65 : memref<80x128xf32, #tpu.memory_space<vmem_shared>>)
        tpu.yield
      }) : () -> ()
      %run_scoped3A_45 = arith.constant 0 : i32
      "tpu.region"() ({
        %run_scoped3A_47 = tpu.sem_alloc : memref<!tpu.dma_semaphore, #tpu.memory_space<semaphore_mem>>
        %dma_start3A = arith.constant 0 : i32
        %dma_start3A_48 = tpu.memref_slice %arg10[%run_scoped3A_45, %dma_start3A] : memref<3x80xf32, #tpu.memory_space<vmem>> -> memref<1x80xf32, #tpu.memory_space<vmem>>
        %dma_start3A_49 = tpu.memref_squeeze %dma_start3A_48 : memref<1x80xf32, #tpu.memory_space<vmem>> -> memref<80xf32, #tpu.memory_space<vmem>>
        %dma_start3A_50 = tpu.memref_slice %arg16[%multiple_of3A] : memref<10240xf32, #tpu.memory_space<vmem_shared>> -> memref<80xf32, #tpu.memory_space<vmem_shared>>
        %dma_start3A_51 = tpu.memref_slice %arg16[%multiple_of3A] : memref<10240xf32, #tpu.memory_space<vmem_shared>> -> memref<80xf32, #tpu.memory_space<vmem_shared>>
        %dma_start3A_52 = arith.constant 0 : i32
        %dma_start3A_53 = tpu.memref_slice %arg10[%run_scoped3A_45, %dma_start3A_52] : memref<3x80xf32, #tpu.memory_space<vmem>> -> memref<1x80xf32, #tpu.memory_space<vmem>>
        %dma_start3A_54 = tpu.memref_squeeze %dma_start3A_53 : memref<1x80xf32, #tpu.memory_space<vmem>> -> memref<80xf32, #tpu.memory_space<vmem>>
        tpu.enqueue_dma source(%dma_start3A_54 : memref<80xf32, #tpu.memory_space<vmem>>) target(%dma_start3A_51 : memref<80xf32, #tpu.memory_space<vmem_shared>>) target_semaphore(%run_scoped3A_47 : memref<!tpu.dma_semaphore, #tpu.memory_space<semaphore_mem>>)
        %dma_wait3A = arith.constant 0 : i32
        %dma_wait3A_55 = tpu.memref_slice %arg10[%run_scoped3A_45, %dma_wait3A] : memref<3x80xf32, #tpu.memory_space<vmem>> -> memref<1x80xf32, #tpu.memory_space<vmem>>
        %dma_wait3A_56 = tpu.memref_squeeze %dma_wait3A_55 : memref<1x80xf32, #tpu.memory_space<vmem>> -> memref<80xf32, #tpu.memory_space<vmem>>
        %dma_wait3A_57 = tpu.memref_slice %arg16[%multiple_of3A] : memref<10240xf32, #tpu.memory_space<vmem_shared>> -> memref<80xf32, #tpu.memory_space<vmem_shared>>
        %dma_wait3A_58 = tpu.memref_slice %arg16[%multiple_of3A] : memref<10240xf32, #tpu.memory_space<vmem_shared>> -> memref<80xf32, #tpu.memory_space<vmem_shared>>
        %dma_wait3A_59 = arith.constant 0 : i32
        %dma_wait3A_60 = tpu.memref_slice %arg10[%run_scoped3A_45, %dma_wait3A_59] : memref<3x80xf32, #tpu.memory_space<vmem>> -> memref<1x80xf32, #tpu.memory_space<vmem>>
        %dma_wait3A_61 = tpu.memref_squeeze %dma_wait3A_60 : memref<1x80xf32, #tpu.memory_space<vmem>> -> memref<80xf32, #tpu.memory_space<vmem>>
        tpu.wait_dma2 semaphore(%run_scoped3A_47 : memref<!tpu.dma_semaphore, #tpu.memory_space<semaphore_mem>>) src(%dma_wait3A_61 : memref<80xf32, #tpu.memory_space<vmem>>) dst(%dma_wait3A_58 : memref<80xf32, #tpu.memory_space<vmem_shared>>)
        tpu.yield
      }) : () -> ()
      %scan3A_46 = arith.constant 0 : i32
      scf.yield %scan3A_46 : i32
    }
    %scan3A_22 = arith.constant 8 : i32
    %barrier3A = arith.constant 0 : index
    tpu.barrier barrier_id(%barrier3A)
    %scan3A_23 = arith.constant 0 : i32
    %scan3A_24 = arith.constant 0 : i32
    %scan3A_25 = arith.constant 5 : i32
    %scan3A_26 = arith.addi %scan3A_24, %scan3A_25 : i32
    %scan3A_27 = arith.constant 1 : i32
    %scan3A_28 = scf.for %scan3A_38 = %scan3A_24 to %scan3A_26 step %scan3A_27 iter_args(%scan3A_39 = %scan3A_23) -> (i32)  : i32 {
      %run_scoped3A = arith.constant 0 : i32
      "tpu.region"() ({
        %run_scoped3A_131 = tpu.sem_alloc : memref<!tpu.dma_semaphore, #tpu.memory_space<semaphore_mem>>
        %dma_start3A_132 = arith.constant 0 : i32
        %dma_start3A_133 = arith.constant 0 : i32
        %dma_start3A_134 = tpu.memref_slice %arg2[%run_scoped3A, %add3A, %scan3A_38, %dma_start3A_132, %dma_start3A_133] : memref<2x32x5x25x80xi32, #tpu.memory_space<hbm>> -> memref<1x1x1x25x80xi32, #tpu.memory_space<hbm>>
        %dma_start3A_135 = tpu.memref_squeeze %dma_start3A_134 : memref<1x1x1x25x80xi32, #tpu.memory_space<hbm>> -> memref<25x80xi32, #tpu.memory_space<hbm>>
        %dma_start3A_136 = arith.constant 0 : i32
        %dma_start3A_137 = arith.constant 0 : i32
        %dma_start3A_138 = tpu.memref_slice %arg2[%run_scoped3A, %add3A, %scan3A_38, %dma_start3A_136, %dma_start3A_137] : memref<2x32x5x25x80xi32, #tpu.memory_space<hbm>> -> memref<1x1x1x25x80xi32, #tpu.memory_space<hbm>>
        %dma_start3A_139 = tpu.memref_squeeze %dma_start3A_138 : memref<1x1x1x25x80xi32, #tpu.memory_space<hbm>> -> memref<25x80xi32, #tpu.memory_space<hbm>>
        tpu.enqueue_dma source(%dma_start3A_139 : memref<25x80xi32, #tpu.memory_space<hbm>>) target(%arg7 : memref<25x80xi32, #tpu.memory_space<vmem>>) target_semaphore(%run_scoped3A_131 : memref<!tpu.dma_semaphore, #tpu.memory_space<semaphore_mem>>)
        %dma_wait3A_140 = arith.constant 0 : i32
        %dma_wait3A_141 = arith.constant 0 : i32
        %dma_wait3A_142 = tpu.memref_slice %arg2[%run_scoped3A, %add3A, %scan3A_38, %dma_wait3A_140, %dma_wait3A_141] : memref<2x32x5x25x80xi32, #tpu.memory_space<hbm>> -> memref<1x1x1x25x80xi32, #tpu.memory_space<hbm>>
        %dma_wait3A_143 = tpu.memref_squeeze %dma_wait3A_142 : memref<1x1x1x25x80xi32, #tpu.memory_space<hbm>> -> memref<25x80xi32, #tpu.memory_space<hbm>>
        %dma_wait3A_144 = arith.constant 0 : i32
        %dma_wait3A_145 = arith.constant 0 : i32
        %dma_wait3A_146 = tpu.memref_slice %arg2[%run_scoped3A, %add3A, %scan3A_38, %dma_wait3A_144, %dma_wait3A_145] : memref<2x32x5x25x80xi32, #tpu.memory_space<hbm>> -> memref<1x1x1x25x80xi32, #tpu.memory_space<hbm>>
        %dma_wait3A_147 = tpu.memref_squeeze %dma_wait3A_146 : memref<1x1x1x25x80xi32, #tpu.memory_space<hbm>> -> memref<25x80xi32, #tpu.memory_space<hbm>>
        tpu.wait_dma2 semaphore(%run_scoped3A_131 : memref<!tpu.dma_semaphore, #tpu.memory_space<semaphore_mem>>) src(%dma_wait3A_147 : memref<25x80xi32, #tpu.memory_space<hbm>>) dst(%arg7 : memref<25x80xi32, #tpu.memory_space<vmem>>)
        tpu.yield
      }) : () -> ()
      %run_scoped3A_40 = arith.constant 1 : i32
      "tpu.region"() ({
        %run_scoped3A_131 = tpu.sem_alloc : memref<!tpu.dma_semaphore, #tpu.memory_space<semaphore_mem>>
        %dma_start3A_132 = arith.constant 0 : i32
        %dma_start3A_133 = arith.constant 0 : i32
        %dma_start3A_134 = tpu.memref_slice %arg2[%run_scoped3A_40, %add3A, %scan3A_38, %dma_start3A_132, %dma_start3A_133] : memref<2x32x5x25x80xi32, #tpu.memory_space<hbm>> -> memref<1x1x1x25x80xi32, #tpu.memory_space<hbm>>
        %dma_start3A_135 = tpu.memref_squeeze %dma_start3A_134 : memref<1x1x1x25x80xi32, #tpu.memory_space<hbm>> -> memref<25x80xi32, #tpu.memory_space<hbm>>
        %dma_start3A_136 = arith.constant 0 : i32
        %dma_start3A_137 = arith.constant 0 : i32
        %dma_start3A_138 = tpu.memref_slice %arg2[%run_scoped3A_40, %add3A, %scan3A_38, %dma_start3A_136, %dma_start3A_137] : memref<2x32x5x25x80xi32, #tpu.memory_space<hbm>> -> memref<1x1x1x25x80xi32, #tpu.memory_space<hbm>>
        %dma_start3A_139 = tpu.memref_squeeze %dma_start3A_138 : memref<1x1x1x25x80xi32, #tpu.memory_space<hbm>> -> memref<25x80xi32, #tpu.memory_space<hbm>>
        tpu.enqueue_dma source(%dma_start3A_139 : memref<25x80xi32, #tpu.memory_space<hbm>>) target(%arg8 : memref<25x80xi32, #tpu.memory_space<vmem>>) target_semaphore(%run_scoped3A_131 : memref<!tpu.dma_semaphore, #tpu.memory_space<semaphore_mem>>)
        %dma_wait3A_140 = arith.constant 0 : i32
        %dma_wait3A_141 = arith.constant 0 : i32
        %dma_wait3A_142 = tpu.memref_slice %arg2[%run_scoped3A_40, %add3A, %scan3A_38, %dma_wait3A_140, %dma_wait3A_141] : memref<2x32x5x25x80xi32, #tpu.memory_space<hbm>> -> memref<1x1x1x25x80xi32, #tpu.memory_space<hbm>>
        %dma_wait3A_143 = tpu.memref_squeeze %dma_wait3A_142 : memref<1x1x1x25x80xi32, #tpu.memory_space<hbm>> -> memref<25x80xi32, #tpu.memory_space<hbm>>
        %dma_wait3A_144 = arith.constant 0 : i32
        %dma_wait3A_145 = arith.constant 0 : i32
        %dma_wait3A_146 = tpu.memref_slice %arg2[%run_scoped3A_40, %add3A, %scan3A_38, %dma_wait3A_144, %dma_wait3A_145] : memref<2x32x5x25x80xi32, #tpu.memory_space<hbm>> -> memref<1x1x1x25x80xi32, #tpu.memory_space<hbm>>
        %dma_wait3A_147 = tpu.memref_squeeze %dma_wait3A_146 : memref<1x1x1x25x80xi32, #tpu.memory_space<hbm>> -> memref<25x80xi32, #tpu.memory_space<hbm>>
        tpu.wait_dma2 semaphore(%run_scoped3A_131 : memref<!tpu.dma_semaphore, #tpu.memory_space<semaphore_mem>>) src(%dma_wait3A_147 : memref<25x80xi32, #tpu.memory_space<hbm>>) dst(%arg8 : memref<25x80xi32, #tpu.memory_space<vmem>>)
        tpu.yield
      }) : () -> ()
      %dma_start3A = arith.constant 0 : i32
      %dma_start3A_41 = arith.constant 0 : i32
      %dma_start3A_42 = arith.constant 0 : i32
      %dma_start3A_43 = arith.constant 0 : i32
      %dma_start3A_44 = arith.constant 0 : i32
      %dma_start3A_45 = tpu.memref_slice %arg9[%dma_start3A_41, %dma_start3A_43, %dma_start3A_44] : memref<3x80x128xf32, #tpu.memory_space<vmem>> -> memref<1x80x128xf32, #tpu.memory_space<vmem>>
      %dma_start3A_46 = tpu.memref_squeeze %dma_start3A_45 : memref<1x80x128xf32, #tpu.memory_space<vmem>> -> memref<80x128xf32, #tpu.memory_space<vmem>>
      %dma_start3A_47 = arith.constant 0 : i32
      %dma_start3A_48 = tpu.memref_slice %arg7[%dma_start3A, %dma_start3A_47] : memref<25x80xi32, #tpu.memory_space<vmem>> -> memref<1x80xi32, #tpu.memory_space<vmem>>
      %dma_start3A_49 = tpu.memref_squeeze %dma_start3A_48 : memref<1x80xi32, #tpu.memory_space<vmem>> -> memref<80xi32, #tpu.memory_space<vmem>>
      %dma_start3A_50 = arith.constant 0 : i32
      %dma_start3A_51 = arith.constant 0 : i32
      %dma_start3A_52 = tpu.memref_slice %arg3[%dma_start3A_50, %dma_start3A_51] : memref<10240x128xf32, #tpu.memory_space<hbm>> -> memref<10240x128xf32, #tpu.memory_space<hbm>>
      %dma_start3A_53 = tpu.memref_slice %arg11[%dma_start3A_42] : memref<3x!tpu.dma_semaphore, #tpu.memory_space<semaphore_mem>> -> memref<1x!tpu.dma_semaphore, #tpu.memory_space<semaphore_mem>>
      %dma_start3A_54 = tpu.memref_squeeze %dma_start3A_53 : memref<1x!tpu.dma_semaphore, #tpu.memory_space<semaphore_mem>> -> memref<!tpu.dma_semaphore, #tpu.memory_space<semaphore_mem>>
      tpu.enqueue_indirect_dma source(%dma_start3A_52 : memref<10240x128xf32, #tpu.memory_space<hbm>>) target(%dma_start3A_46 : memref<80x128xf32, #tpu.memory_space<vmem>>) offsets(%dma_start3A_49 : memref<80xi32, #tpu.memory_space<vmem>>) semaphore(%dma_start3A_54 : memref<!tpu.dma_semaphore, #tpu.memory_space<semaphore_mem>>)
      %dma_start3A_55 = arith.constant 0 : i32
      %dma_start3A_56 = arith.constant 0 : i32
      %dma_start3A_57 = arith.constant 0 : i32
      %dma_start3A_58 = arith.constant 0 : i32
      %dma_start3A_59 = tpu.memref_slice %arg10[%dma_start3A_56, %dma_start3A_58] : memref<3x80xf32, #tpu.memory_space<vmem>> -> memref<1x80xf32, #tpu.memory_space<vmem>>
      %dma_start3A_60 = tpu.memref_squeeze %dma_start3A_59 : memref<1x80xf32, #tpu.memory_space<vmem>> -> memref<80xf32, #tpu.memory_space<vmem>>
      %dma_start3A_61 = arith.constant 0 : i32
      %dma_start3A_62 = tpu.memref_slice %arg8[%dma_start3A_55, %dma_start3A_61] : memref<25x80xi32, #tpu.memory_space<vmem>> -> memref<1x80xi32, #tpu.memory_space<vmem>>
      %dma_start3A_63 = tpu.memref_squeeze %dma_start3A_62 : memref<1x80xi32, #tpu.memory_space<vmem>> -> memref<80xi32, #tpu.memory_space<vmem>>
      %dma_start3A_64 = arith.constant 0 : i32
      %dma_start3A_65 = tpu.memref_slice %arg4[%dma_start3A_64] : memref<10240xf32, #tpu.memory_space<hbm>> -> memref<10240xf32, #tpu.memory_space<hbm>>
      %dma_start3A_66 = tpu.memref_slice %arg12[%dma_start3A_57] : memref<3x!tpu.dma_semaphore, #tpu.memory_space<semaphore_mem>> -> memref<1x!tpu.dma_semaphore, #tpu.memory_space<semaphore_mem>>
      %dma_start3A_67 = tpu.memref_squeeze %dma_start3A_66 : memref<1x!tpu.dma_semaphore, #tpu.memory_space<semaphore_mem>> -> memref<!tpu.dma_semaphore, #tpu.memory_space<semaphore_mem>>
      tpu.enqueue_indirect_dma source(%dma_start3A_65 : memref<10240xf32, #tpu.memory_space<hbm>>) target(%dma_start3A_60 : memref<80xf32, #tpu.memory_space<vmem>>) offsets(%dma_start3A_63 : memref<80xi32, #tpu.memory_space<vmem>>) semaphore(%dma_start3A_67 : memref<!tpu.dma_semaphore, #tpu.memory_space<semaphore_mem>>)
      %scan3A_68 = arith.constant 0 : i32
      %scan3A_69 = arith.constant 0 : i32
      %scan3A_70 = arith.constant 25 : i32
      %scan3A_71 = arith.addi %scan3A_69, %scan3A_70 : i32
      %scan3A_72 = arith.constant 1 : i32
      %scan3A_73 = scf.for %scan3A_131 = %scan3A_69 to %scan3A_71 step %scan3A_72 iter_args(%scan3A_132 = %scan3A_68) -> (i32)  : i32 {
        %add3A_133 = arith.constant 1 : i32
        %add3A_134 = arith.addi %scan3A_131, %add3A_133 : i32
        %rem3A = arith.constant 3 : i32
        %rem3A_135 = arith.remsi %add3A_134, %rem3A : i32
        %add3A_136 = arith.constant 1 : i32
        %add3A_137 = arith.addi %scan3A_131, %add3A_136 : i32
        %ge3A = arith.constant 3 : i32
        %ge3A_138 = arith.cmpi sge, %add3A_137, %ge3A : i32
        %convert_element_type3A = arith.extui %ge3A_138 : i1 to i32
        %cond3A = arith.constant 0 : i32
        %cond3A_139 = arith.cmpi ne, %convert_element_type3A, %cond3A : i32
        scf.if %cond3A_139 {
          %add3A_193 = arith.constant 1 : i32
          %add3A_194 = arith.addi %scan3A_131, %add3A_193 : i32
          %sub3A = arith.constant 3 : i32
          %sub3A_195 = arith.subi %add3A_194, %sub3A : i32
          %dma_wait3A_196 = arith.constant 0 : i32
          %dma_wait3A_197 = arith.constant 0 : i32
          %dma_wait3A_198 = tpu.memref_slice %arg9[%rem3A_135, %dma_wait3A_196, %dma_wait3A_197] : memref<3x80x128xf32, #tpu.memory_space<vmem>> -> memref<1x80x128xf32, #tpu.memory_space<vmem>>
          %dma_wait3A_199 = tpu.memref_squeeze %dma_wait3A_198 : memref<1x80x128xf32, #tpu.memory_space<vmem>> -> memref<80x128xf32, #tpu.memory_space<vmem>>
          %dma_wait3A_200 = arith.constant 0 : i32
          %dma_wait3A_201 = tpu.memref_slice %arg8[%sub3A_195, %dma_wait3A_200] : memref<25x80xi32, #tpu.memory_space<vmem>> -> memref<1x80xi32, #tpu.memory_space<vmem>>
          %dma_wait3A_202 = tpu.memref_squeeze %dma_wait3A_201 : memref<1x80xi32, #tpu.memory_space<vmem>> -> memref<80xi32, #tpu.memory_space<vmem>>
          %dma_wait3A_203 = arith.constant 0 : i32
          %dma_wait3A_204 = arith.constant 0 : i32
          %dma_wait3A_205 = tpu.memref_slice %arg15[%dma_wait3A_203, %dma_wait3A_204] : memref<10240x128xf32, #tpu.memory_space<vmem_shared>> -> memref<10240x128xf32, #tpu.memory_space<vmem_shared>>
          %dma_wait3A_206 = tpu.memref_slice %arg13[%rem3A_135] : memref<3x!tpu.dma_semaphore, #tpu.memory_space<semaphore_mem>> -> memref<1x!tpu.dma_semaphore, #tpu.memory_space<semaphore_mem>>
          %dma_wait3A_207 = tpu.memref_squeeze %dma_wait3A_206 : memref<1x!tpu.dma_semaphore, #tpu.memory_space<semaphore_mem>> -> memref<!tpu.dma_semaphore, #tpu.memory_space<semaphore_mem>>
          tpu.wait_indirect_dma semaphore(%dma_wait3A_207 : memref<!tpu.dma_semaphore, #tpu.memory_space<semaphore_mem>>) src(%dma_wait3A_199 : memref<80x128xf32, #tpu.memory_space<vmem>>) dst(%dma_wait3A_205 : memref<10240x128xf32, #tpu.memory_space<vmem_shared>>)
          %dma_wait3A_208 = arith.constant 0 : i32
          %dma_wait3A_209 = tpu.memref_slice %arg10[%rem3A_135, %dma_wait3A_208] : memref<3x80xf32, #tpu.memory_space<vmem>> -> memref<1x80xf32, #tpu.memory_space<vmem>>
          %dma_wait3A_210 = tpu.memref_squeeze %dma_wait3A_209 : memref<1x80xf32, #tpu.memory_space<vmem>> -> memref<80xf32, #tpu.memory_space<vmem>>
          %dma_wait3A_211 = arith.constant 0 : i32
          %dma_wait3A_212 = tpu.memref_slice %arg7[%sub3A_195, %dma_wait3A_211] : memref<25x80xi32, #tpu.memory_space<vmem>> -> memref<1x80xi32, #tpu.memory_space<vmem>>
          %dma_wait3A_213 = tpu.memref_squeeze %dma_wait3A_212 : memref<1x80xi32, #tpu.memory_space<vmem>> -> memref<80xi32, #tpu.memory_space<vmem>>
          %dma_wait3A_214 = arith.constant 0 : i32
          %dma_wait3A_215 = tpu.memref_slice %arg16[%dma_wait3A_214] : memref<10240xf32, #tpu.memory_space<vmem_shared>> -> memref<10240xf32, #tpu.memory_space<vmem_shared>>
          %dma_wait3A_216 = tpu.memref_slice %arg14[%rem3A_135] : memref<3x!tpu.dma_semaphore, #tpu.memory_space<semaphore_mem>> -> memref<1x!tpu.dma_semaphore, #tpu.memory_space<semaphore_mem>>
          %dma_wait3A_217 = tpu.memref_squeeze %dma_wait3A_216 : memref<1x!tpu.dma_semaphore, #tpu.memory_space<semaphore_mem>> -> memref<!tpu.dma_semaphore, #tpu.memory_space<semaphore_mem>>
          tpu.wait_indirect_dma semaphore(%dma_wait3A_217 : memref<!tpu.dma_semaphore, #tpu.memory_space<semaphore_mem>>) src(%dma_wait3A_210 : memref<80xf32, #tpu.memory_space<vmem>>) dst(%dma_wait3A_215 : memref<10240xf32, #tpu.memory_space<vmem_shared>>)
        } else {
        }
        %add3A_140 = arith.constant 1 : i32
        %add3A_141 = arith.addi %scan3A_131, %add3A_140 : i32
        %lt3A = arith.constant 25 : i32
        %lt3A_142 = arith.cmpi slt, %add3A_141, %lt3A : i32
        %convert_element_type3A_143 = arith.extui %lt3A_142 : i1 to i32
        %cond3A_144 = arith.constant 0 : i32
        %cond3A_145 = arith.cmpi ne, %convert_element_type3A_143, %cond3A_144 : i32
        scf.if %cond3A_145 {
          %add3A_193 = arith.constant 1 : i32
          %add3A_194 = arith.addi %scan3A_131, %add3A_193 : i32
          %dma_start3A_195 = arith.constant 0 : i32
          %dma_start3A_196 = arith.constant 0 : i32
          %dma_start3A_197 = tpu.memref_slice %arg9[%rem3A_135, %dma_start3A_195, %dma_start3A_196] : memref<3x80x128xf32, #tpu.memory_space<vmem>> -> memref<1x80x128xf32, #tpu.memory_space<vmem>>
          %dma_start3A_198 = tpu.memref_squeeze %dma_start3A_197 : memref<1x80x128xf32, #tpu.memory_space<vmem>> -> memref<80x128xf32, #tpu.memory_space<vmem>>
          %dma_start3A_199 = arith.constant 0 : i32
          %dma_start3A_200 = tpu.memref_slice %arg7[%add3A_194, %dma_start3A_199] : memref<25x80xi32, #tpu.memory_space<vmem>> -> memref<1x80xi32, #tpu.memory_space<vmem>>
          %dma_start3A_201 = tpu.memref_squeeze %dma_start3A_200 : memref<1x80xi32, #tpu.memory_space<vmem>> -> memref<80xi32, #tpu.memory_space<vmem>>
          %dma_start3A_202 = arith.constant 0 : i32
          %dma_start3A_203 = arith.constant 0 : i32
          %dma_start3A_204 = tpu.memref_slice %arg3[%dma_start3A_202, %dma_start3A_203] : memref<10240x128xf32, #tpu.memory_space<hbm>> -> memref<10240x128xf32, #tpu.memory_space<hbm>>
          %dma_start3A_205 = tpu.memref_slice %arg11[%rem3A_135] : memref<3x!tpu.dma_semaphore, #tpu.memory_space<semaphore_mem>> -> memref<1x!tpu.dma_semaphore, #tpu.memory_space<semaphore_mem>>
          %dma_start3A_206 = tpu.memref_squeeze %dma_start3A_205 : memref<1x!tpu.dma_semaphore, #tpu.memory_space<semaphore_mem>> -> memref<!tpu.dma_semaphore, #tpu.memory_space<semaphore_mem>>
          tpu.enqueue_indirect_dma source(%dma_start3A_204 : memref<10240x128xf32, #tpu.memory_space<hbm>>) target(%dma_start3A_198 : memref<80x128xf32, #tpu.memory_space<vmem>>) offsets(%dma_start3A_201 : memref<80xi32, #tpu.memory_space<vmem>>) semaphore(%dma_start3A_206 : memref<!tpu.dma_semaphore, #tpu.memory_space<semaphore_mem>>)
          %dma_start3A_207 = arith.constant 0 : i32
          %dma_start3A_208 = tpu.memref_slice %arg10[%rem3A_135, %dma_start3A_207] : memref<3x80xf32, #tpu.memory_space<vmem>> -> memref<1x80xf32, #tpu.memory_space<vmem>>
          %dma_start3A_209 = tpu.memref_squeeze %dma_start3A_208 : memref<1x80xf32, #tpu.memory_space<vmem>> -> memref<80xf32, #tpu.memory_space<vmem>>
          %dma_start3A_210 = arith.constant 0 : i32
          %dma_start3A_211 = tpu.memref_slice %arg8[%add3A_194, %dma_start3A_210] : memref<25x80xi32, #tpu.memory_space<vmem>> -> memref<1x80xi32, #tpu.memory_space<vmem>>
          %dma_start3A_212 = tpu.memref_squeeze %dma_start3A_211 : memref<1x80xi32, #tpu.memory_space<vmem>> -> memref<80xi32, #tpu.memory_space<vmem>>
          %dma_start3A_213 = arith.constant 0 : i32
          %dma_start3A_214 = tpu.memref_slice %arg4[%dma_start3A_213] : memref<10240xf32, #tpu.memory_space<hbm>> -> memref<10240xf32, #tpu.memory_space<hbm>>
          %dma_start3A_215 = tpu.memref_slice %arg12[%rem3A_135] : memref<3x!tpu.dma_semaphore, #tpu.memory_space<semaphore_mem>> -> memref<1x!tpu.dma_semaphore, #tpu.memory_space<semaphore_mem>>
          %dma_start3A_216 = tpu.memref_squeeze %dma_start3A_215 : memref<1x!tpu.dma_semaphore, #tpu.memory_space<semaphore_mem>> -> memref<!tpu.dma_semaphore, #tpu.memory_space<semaphore_mem>>
          tpu.enqueue_indirect_dma source(%dma_start3A_214 : memref<10240xf32, #tpu.memory_space<hbm>>) target(%dma_start3A_209 : memref<80xf32, #tpu.memory_space<vmem>>) offsets(%dma_start3A_212 : memref<80xi32, #tpu.memory_space<vmem>>) semaphore(%dma_start3A_216 : memref<!tpu.dma_semaphore, #tpu.memory_space<semaphore_mem>>)
        } else {
        }
        %rem3A_146 = arith.constant 3 : i32
        %rem3A_147 = arith.remsi %scan3A_131, %rem3A_146 : i32
        %dma_wait3A_148 = arith.constant 0 : i32
        %dma_wait3A_149 = arith.constant 0 : i32
        %dma_wait3A_150 = tpu.memref_slice %arg9[%rem3A_147, %dma_wait3A_148, %dma_wait3A_149] : memref<3x80x128xf32, #tpu.memory_space<vmem>> -> memref<1x80x128xf32, #tpu.memory_space<vmem>>
        %dma_wait3A_151 = tpu.memref_squeeze %dma_wait3A_150 : memref<1x80x128xf32, #tpu.memory_space<vmem>> -> memref<80x128xf32, #tpu.memory_space<vmem>>
        %dma_wait3A_152 = arith.constant 0 : i32
        %dma_wait3A_153 = tpu.memref_slice %arg7[%scan3A_131, %dma_wait3A_152] : memref<25x80xi32, #tpu.memory_space<vmem>> -> memref<1x80xi32, #tpu.memory_space<vmem>>
        %dma_wait3A_154 = tpu.memref_squeeze %dma_wait3A_153 : memref<1x80xi32, #tpu.memory_space<vmem>> -> memref<80xi32, #tpu.memory_space<vmem>>
        %dma_wait3A_155 = arith.constant 0 : i32
        %dma_wait3A_156 = arith.constant 0 : i32
        %dma_wait3A_157 = tpu.memref_slice %arg3[%dma_wait3A_155, %dma_wait3A_156] : memref<10240x128xf32, #tpu.memory_space<hbm>> -> memref<10240x128xf32, #tpu.memory_space<hbm>>
        %dma_wait3A_158 = tpu.memref_slice %arg11[%rem3A_147] : memref<3x!tpu.dma_semaphore, #tpu.memory_space<semaphore_mem>> -> memref<1x!tpu.dma_semaphore, #tpu.memory_space<semaphore_mem>>
        %dma_wait3A_159 = tpu.memref_squeeze %dma_wait3A_158 : memref<1x!tpu.dma_semaphore, #tpu.memory_space<semaphore_mem>> -> memref<!tpu.dma_semaphore, #tpu.memory_space<semaphore_mem>>
        tpu.wait_indirect_dma semaphore(%dma_wait3A_159 : memref<!tpu.dma_semaphore, #tpu.memory_space<semaphore_mem>>) src(%dma_wait3A_157 : memref<10240x128xf32, #tpu.memory_space<hbm>>) dst(%dma_wait3A_151 : memref<80x128xf32, #tpu.memory_space<vmem>>)
        %dma_wait3A_160 = arith.constant 0 : i32
        %dma_wait3A_161 = tpu.memref_slice %arg10[%rem3A_147, %dma_wait3A_160] : memref<3x80xf32, #tpu.memory_space<vmem>> -> memref<1x80xf32, #tpu.memory_space<vmem>>
        %dma_wait3A_162 = tpu.memref_squeeze %dma_wait3A_161 : memref<1x80xf32, #tpu.memory_space<vmem>> -> memref<80xf32, #tpu.memory_space<vmem>>
        %dma_wait3A_163 = arith.constant 0 : i32
        %dma_wait3A_164 = tpu.memref_slice %arg8[%scan3A_131, %dma_wait3A_163] : memref<25x80xi32, #tpu.memory_space<vmem>> -> memref<1x80xi32, #tpu.memory_space<vmem>>
        %dma_wait3A_165 = tpu.memref_squeeze %dma_wait3A_164 : memref<1x80xi32, #tpu.memory_space<vmem>> -> memref<80xi32, #tpu.memory_space<vmem>>
        %dma_wait3A_166 = arith.constant 0 : i32
        %dma_wait3A_167 = tpu.memref_slice %arg4[%dma_wait3A_166] : memref<10240xf32, #tpu.memory_space<hbm>> -> memref<10240xf32, #tpu.memory_space<hbm>>
        %dma_wait3A_168 = tpu.memref_slice %arg12[%rem3A_147] : memref<3x!tpu.dma_semaphore, #tpu.memory_space<semaphore_mem>> -> memref<1x!tpu.dma_semaphore, #tpu.memory_space<semaphore_mem>>
        %dma_wait3A_169 = tpu.memref_squeeze %dma_wait3A_168 : memref<1x!tpu.dma_semaphore, #tpu.memory_space<semaphore_mem>> -> memref<!tpu.dma_semaphore, #tpu.memory_space<semaphore_mem>>
        tpu.wait_indirect_dma semaphore(%dma_wait3A_169 : memref<!tpu.dma_semaphore, #tpu.memory_space<semaphore_mem>>) src(%dma_wait3A_167 : memref<10240xf32, #tpu.memory_space<hbm>>) dst(%dma_wait3A_162 : memref<80xf32, #tpu.memory_space<vmem>>)
        %dma_start3A_170 = arith.constant 0 : i32
        %dma_start3A_171 = arith.constant 0 : i32
        %dma_start3A_172 = tpu.memref_slice %arg9[%rem3A_147, %dma_start3A_170, %dma_start3A_171] : memref<3x80x128xf32, #tpu.memory_space<vmem>> -> memref<1x80x128xf32, #tpu.memory_space<vmem>>
        %dma_start3A_173 = tpu.memref_squeeze %dma_start3A_172 : memref<1x80x128xf32, #tpu.memory_space<vmem>> -> memref<80x128xf32, #tpu.memory_space<vmem>>
        %dma_start3A_174 = arith.constant 0 : i32
        %dma_start3A_175 = tpu.memref_slice %arg8[%scan3A_131, %dma_start3A_174] : memref<25x80xi32, #tpu.memory_space<vmem>> -> memref<1x80xi32, #tpu.memory_space<vmem>>
        %dma_start3A_176 = tpu.memref_squeeze %dma_start3A_175 : memref<1x80xi32, #tpu.memory_space<vmem>> -> memref<80xi32, #tpu.memory_space<vmem>>
        %dma_start3A_177 = arith.constant 0 : i32
        %dma_start3A_178 = arith.constant 0 : i32
        %dma_start3A_179 = tpu.memref_slice %arg15[%dma_start3A_177, %dma_start3A_178] : memref<10240x128xf32, #tpu.memory_space<vmem_shared>> -> memref<10240x128xf32, #tpu.memory_space<vmem_shared>>
        %dma_start3A_180 = tpu.memref_slice %arg13[%rem3A_147] : memref<3x!tpu.dma_semaphore, #tpu.memory_space<semaphore_mem>> -> memref<1x!tpu.dma_semaphore, #tpu.memory_space<semaphore_mem>>
        %dma_start3A_181 = tpu.memref_squeeze %dma_start3A_180 : memref<1x!tpu.dma_semaphore, #tpu.memory_space<semaphore_mem>> -> memref<!tpu.dma_semaphore, #tpu.memory_space<semaphore_mem>>
        tpu.enqueue_indirect_dma source(%dma_start3A_173 : memref<80x128xf32, #tpu.memory_space<vmem>>) target(%dma_start3A_179 : memref<10240x128xf32, #tpu.memory_space<vmem_shared>>) offsets(%dma_start3A_176 : memref<80xi32, #tpu.memory_space<vmem>>) semaphore(%dma_start3A_181 : memref<!tpu.dma_semaphore, #tpu.memory_space<semaphore_mem>>) {add = true}
        %dma_start3A_182 = arith.constant 0 : i32
        %dma_start3A_183 = tpu.memref_slice %arg10[%rem3A_147, %dma_start3A_182] : memref<3x80xf32, #tpu.memory_space<vmem>> -> memref<1x80xf32, #tpu.memory_space<vmem>>
        %dma_start3A_184 = tpu.memref_squeeze %dma_start3A_183 : memref<1x80xf32, #tpu.memory_space<vmem>> -> memref<80xf32, #tpu.memory_space<vmem>>
        %dma_start3A_185 = arith.constant 0 : i32
        %dma_start3A_186 = tpu.memref_slice %arg7[%scan3A_131, %dma_start3A_185] : memref<25x80xi32, #tpu.memory_space<vmem>> -> memref<1x80xi32, #tpu.memory_space<vmem>>
        %dma_start3A_187 = tpu.memref_squeeze %dma_start3A_186 : memref<1x80xi32, #tpu.memory_space<vmem>> -> memref<80xi32, #tpu.memory_space<vmem>>
        %dma_start3A_188 = arith.constant 0 : i32
        %dma_start3A_189 = tpu.memref_slice %arg16[%dma_start3A_188] : memref<10240xf32, #tpu.memory_space<vmem_shared>> -> memref<10240xf32, #tpu.memory_space<vmem_shared>>
        %dma_start3A_190 = tpu.memref_slice %arg14[%rem3A_147] : memref<3x!tpu.dma_semaphore, #tpu.memory_space<semaphore_mem>> -> memref<1x!tpu.dma_semaphore, #tpu.memory_space<semaphore_mem>>
        %dma_start3A_191 = tpu.memref_squeeze %dma_start3A_190 : memref<1x!tpu.dma_semaphore, #tpu.memory_space<semaphore_mem>> -> memref<!tpu.dma_semaphore, #tpu.memory_space<semaphore_mem>>
        tpu.enqueue_indirect_dma source(%dma_start3A_184 : memref<80xf32, #tpu.memory_space<vmem>>) target(%dma_start3A_189 : memref<10240xf32, #tpu.memory_space<vmem_shared>>) offsets(%dma_start3A_187 : memref<80xi32, #tpu.memory_space<vmem>>) semaphore(%dma_start3A_191 : memref<!tpu.dma_semaphore, #tpu.memory_space<semaphore_mem>>) {add = true}
        %scan3A_192 = arith.constant 0 : i32
        scf.yield %scan3A_192 : i32
      }
      %scan3A_74 = arith.constant 25 : i32
      %dma_wait3A = arith.constant 2 : i32
      %dma_wait3A_75 = arith.constant 23 : i32
      %dma_wait3A_76 = arith.constant 2 : i32
      %dma_wait3A_77 = arith.constant 0 : i32
      %dma_wait3A_78 = arith.constant 0 : i32
      %dma_wait3A_79 = tpu.memref_slice %arg9[%dma_wait3A, %dma_wait3A_77, %dma_wait3A_78] : memref<3x80x128xf32, #tpu.memory_space<vmem>> -> memref<1x80x128xf32, #tpu.memory_space<vmem>>
      %dma_wait3A_80 = tpu.memref_squeeze %dma_wait3A_79 : memref<1x80x128xf32, #tpu.memory_space<vmem>> -> memref<80x128xf32, #tpu.memory_space<vmem>>
      %dma_wait3A_81 = arith.constant 0 : i32
      %dma_wait3A_82 = tpu.memref_slice %arg8[%dma_wait3A_75, %dma_wait3A_81] : memref<25x80xi32, #tpu.memory_space<vmem>> -> memref<1x80xi32, #tpu.memory_space<vmem>>
      %dma_wait3A_83 = tpu.memref_squeeze %dma_wait3A_82 : memref<1x80xi32, #tpu.memory_space<vmem>> -> memref<80xi32, #tpu.memory_space<vmem>>
      %dma_wait3A_84 = arith.constant 0 : i32
      %dma_wait3A_85 = arith.constant 0 : i32
      %dma_wait3A_86 = tpu.memref_slice %arg15[%dma_wait3A_84, %dma_wait3A_85] : memref<10240x128xf32, #tpu.memory_space<vmem_shared>> -> memref<10240x128xf32, #tpu.memory_space<vmem_shared>>
      %dma_wait3A_87 = tpu.memref_slice %arg13[%dma_wait3A_76] : memref<3x!tpu.dma_semaphore, #tpu.memory_space<semaphore_mem>> -> memref<1x!tpu.dma_semaphore, #tpu.memory_space<semaphore_mem>>
      %dma_wait3A_88 = tpu.memref_squeeze %dma_wait3A_87 : memref<1x!tpu.dma_semaphore, #tpu.memory_space<semaphore_mem>> -> memref<!tpu.dma_semaphore, #tpu.memory_space<semaphore_mem>>
      tpu.wait_indirect_dma semaphore(%dma_wait3A_88 : memref<!tpu.dma_semaphore, #tpu.memory_space<semaphore_mem>>) src(%dma_wait3A_80 : memref<80x128xf32, #tpu.memory_space<vmem>>) dst(%dma_wait3A_86 : memref<10240x128xf32, #tpu.memory_space<vmem_shared>>)
      %dma_wait3A_89 = arith.constant 2 : i32
      %dma_wait3A_90 = arith.constant 23 : i32
      %dma_wait3A_91 = arith.constant 2 : i32
      %dma_wait3A_92 = arith.constant 0 : i32
      %dma_wait3A_93 = tpu.memref_slice %arg10[%dma_wait3A_89, %dma_wait3A_92] : memref<3x80xf32, #tpu.memory_space<vmem>> -> memref<1x80xf32, #tpu.memory_space<vmem>>
      %dma_wait3A_94 = tpu.memref_squeeze %dma_wait3A_93 : memref<1x80xf32, #tpu.memory_space<vmem>> -> memref<80xf32, #tpu.memory_space<vmem>>
      %dma_wait3A_95 = arith.constant 0 : i32
      %dma_wait3A_96 = tpu.memref_slice %arg7[%dma_wait3A_90, %dma_wait3A_95] : memref<25x80xi32, #tpu.memory_space<vmem>> -> memref<1x80xi32, #tpu.memory_space<vmem>>
      %dma_wait3A_97 = tpu.memref_squeeze %dma_wait3A_96 : memref<1x80xi32, #tpu.memory_space<vmem>> -> memref<80xi32, #tpu.memory_space<vmem>>
      %dma_wait3A_98 = arith.constant 0 : i32
      %dma_wait3A_99 = tpu.memref_slice %arg16[%dma_wait3A_98] : memref<10240xf32, #tpu.memory_space<vmem_shared>> -> memref<10240xf32, #tpu.memory_space<vmem_shared>>
      %dma_wait3A_100 = tpu.memref_slice %arg14[%dma_wait3A_91] : memref<3x!tpu.dma_semaphore, #tpu.memory_space<semaphore_mem>> -> memref<1x!tpu.dma_semaphore, #tpu.memory_space<semaphore_mem>>
      %dma_wait3A_101 = tpu.memref_squeeze %dma_wait3A_100 : memref<1x!tpu.dma_semaphore, #tpu.memory_space<semaphore_mem>> -> memref<!tpu.dma_semaphore, #tpu.memory_space<semaphore_mem>>
      tpu.wait_indirect_dma semaphore(%dma_wait3A_101 : memref<!tpu.dma_semaphore, #tpu.memory_space<semaphore_mem>>) src(%dma_wait3A_94 : memref<80xf32, #tpu.memory_space<vmem>>) dst(%dma_wait3A_99 : memref<10240xf32, #tpu.memory_space<vmem_shared>>)
      %dma_wait3A_102 = arith.constant 0 : i32
      %dma_wait3A_103 = arith.constant 24 : i32
      %dma_wait3A_104 = arith.constant 0 : i32
      %dma_wait3A_105 = arith.constant 0 : i32
      %dma_wait3A_106 = arith.constant 0 : i32
      %dma_wait3A_107 = tpu.memref_slice %arg9[%dma_wait3A_102, %dma_wait3A_105, %dma_wait3A_106] : memref<3x80x128xf32, #tpu.memory_space<vmem>> -> memref<1x80x128xf32, #tpu.memory_space<vmem>>
      %dma_wait3A_108 = tpu.memref_squeeze %dma_wait3A_107 : memref<1x80x128xf32, #tpu.memory_space<vmem>> -> memref<80x128xf32, #tpu.memory_space<vmem>>
      %dma_wait3A_109 = arith.constant 0 : i32
      %dma_wait3A_110 = tpu.memref_slice %arg8[%dma_wait3A_103, %dma_wait3A_109] : memref<25x80xi32, #tpu.memory_space<vmem>> -> memref<1x80xi32, #tpu.memory_space<vmem>>
      %dma_wait3A_111 = tpu.memref_squeeze %dma_wait3A_110 : memref<1x80xi32, #tpu.memory_space<vmem>> -> memref<80xi32, #tpu.memory_space<vmem>>
      %dma_wait3A_112 = arith.constant 0 : i32
      %dma_wait3A_113 = arith.constant 0 : i32
      %dma_wait3A_114 = tpu.memref_slice %arg15[%dma_wait3A_112, %dma_wait3A_113] : memref<10240x128xf32, #tpu.memory_space<vmem_shared>> -> memref<10240x128xf32, #tpu.memory_space<vmem_shared>>
      %dma_wait3A_115 = tpu.memref_slice %arg13[%dma_wait3A_104] : memref<3x!tpu.dma_semaphore, #tpu.memory_space<semaphore_mem>> -> memref<1x!tpu.dma_semaphore, #tpu.memory_space<semaphore_mem>>
      %dma_wait3A_116 = tpu.memref_squeeze %dma_wait3A_115 : memref<1x!tpu.dma_semaphore, #tpu.memory_space<semaphore_mem>> -> memref<!tpu.dma_semaphore, #tpu.memory_space<semaphore_mem>>
      tpu.wait_indirect_dma semaphore(%dma_wait3A_116 : memref<!tpu.dma_semaphore, #tpu.memory_space<semaphore_mem>>) src(%dma_wait3A_108 : memref<80x128xf32, #tpu.memory_space<vmem>>) dst(%dma_wait3A_114 : memref<10240x128xf32, #tpu.memory_space<vmem_shared>>)
      %dma_wait3A_117 = arith.constant 0 : i32
      %dma_wait3A_118 = arith.constant 24 : i32
      %dma_wait3A_119 = arith.constant 0 : i32
      %dma_wait3A_120 = arith.constant 0 : i32
      %dma_wait3A_121 = tpu.memref_slice %arg10[%dma_wait3A_117, %dma_wait3A_120] : memref<3x80xf32, #tpu.memory_space<vmem>> -> memref<1x80xf32, #tpu.memory_space<vmem>>
      %dma_wait3A_122 = tpu.memref_squeeze %dma_wait3A_121 : memref<1x80xf32, #tpu.memory_space<vmem>> -> memref<80xf32, #tpu.memory_space<vmem>>
      %dma_wait3A_123 = arith.constant 0 : i32
      %dma_wait3A_124 = tpu.memref_slice %arg7[%dma_wait3A_118, %dma_wait3A_123] : memref<25x80xi32, #tpu.memory_space<vmem>> -> memref<1x80xi32, #tpu.memory_space<vmem>>
      %dma_wait3A_125 = tpu.memref_squeeze %dma_wait3A_124 : memref<1x80xi32, #tpu.memory_space<vmem>> -> memref<80xi32, #tpu.memory_space<vmem>>
      %dma_wait3A_126 = arith.constant 0 : i32
      %dma_wait3A_127 = tpu.memref_slice %arg16[%dma_wait3A_126] : memref<10240xf32, #tpu.memory_space<vmem_shared>> -> memref<10240xf32, #tpu.memory_space<vmem_shared>>
      %dma_wait3A_128 = tpu.memref_slice %arg14[%dma_wait3A_119] : memref<3x!tpu.dma_semaphore, #tpu.memory_space<semaphore_mem>> -> memref<1x!tpu.dma_semaphore, #tpu.memory_space<semaphore_mem>>
      %dma_wait3A_129 = tpu.memref_squeeze %dma_wait3A_128 : memref<1x!tpu.dma_semaphore, #tpu.memory_space<semaphore_mem>> -> memref<!tpu.dma_semaphore, #tpu.memory_space<semaphore_mem>>
      tpu.wait_indirect_dma semaphore(%dma_wait3A_129 : memref<!tpu.dma_semaphore, #tpu.memory_space<semaphore_mem>>) src(%dma_wait3A_122 : memref<80xf32, #tpu.memory_space<vmem>>) dst(%dma_wait3A_127 : memref<10240xf32, #tpu.memory_space<vmem_shared>>)
      %scan3A_130 = arith.constant 0 : i32
      scf.yield %scan3A_130 : i32
    }
    %scan3A_29 = arith.constant 5 : i32
    %barrier3A_30 = arith.constant 0 : index
    tpu.barrier barrier_id(%barrier3A_30)
    %scan3A_31 = arith.constant 0 : i32
    %scan3A_32 = arith.constant 0 : i32
    %scan3A_33 = arith.constant 8 : i32
    %scan3A_34 = arith.addi %scan3A_32, %scan3A_33 : i32
    %scan3A_35 = arith.constant 1 : i32
    %scan3A_36 = scf.for %scan3A_38 = %scan3A_32 to %scan3A_34 step %scan3A_35 iter_args(%scan3A_39 = %scan3A_31) -> (i32)  : i32 {
      %mul3A_40 = arith.constant 640 : i32
      %mul3A_41 = arith.muli %arg1, %mul3A_40 : i32
      %mul3A_42 = arith.constant 80 : i32
      %mul3A_43 = arith.muli %scan3A_38, %mul3A_42 : i32
      %add3A_44 = arith.addi %mul3A_41, %mul3A_43 : i32
      %multiple_of3A = tpu.assume_multiple %add3A_44, 80 : i32
      %run_scoped3A = arith.constant 0 : i32
      "tpu.region"() ({
        %run_scoped3A_52 = tpu.sem_alloc : memref<!tpu.dma_semaphore, #tpu.memory_space<semaphore_mem>>
        %dma_start3A = arith.constant 0 : i32
        %dma_start3A_53 = arith.constant 0 : i32
        %dma_start3A_54 = tpu.memref_slice %arg9[%run_scoped3A, %dma_start3A, %dma_start3A_53] : memref<3x80x128xf32, #tpu.memory_space<vmem>> -> memref<1x80x128xf32, #tpu.memory_space<vmem>>
        %dma_start3A_55 = tpu.memref_squeeze %dma_start3A_54 : memref<1x80x128xf32, #tpu.memory_space<vmem>> -> memref<80x128xf32, #tpu.memory_space<vmem>>
        %dma_start3A_56 = arith.constant 0 : i32
        %dma_start3A_57 = tpu.memref_slice %arg15[%multiple_of3A, %dma_start3A_56] : memref<10240x128xf32, #tpu.memory_space<vmem_shared>> -> memref<80x128xf32, #tpu.memory_space<vmem_shared>>
        %dma_start3A_58 = arith.constant 0 : i32
        %dma_start3A_59 = arith.constant 0 : i32
        %dma_start3A_60 = tpu.memref_slice %arg9[%run_scoped3A, %dma_start3A_58, %dma_start3A_59] : memref<3x80x128xf32, #tpu.memory_space<vmem>> -> memref<1x80x128xf32, #tpu.memory_space<vmem>>
        %dma_start3A_61 = tpu.memref_squeeze %dma_start3A_60 : memref<1x80x128xf32, #tpu.memory_space<vmem>> -> memref<80x128xf32, #tpu.memory_space<vmem>>
        %dma_start3A_62 = arith.constant 0 : i32
        %dma_start3A_63 = tpu.memref_slice %arg15[%multiple_of3A, %dma_start3A_62] : memref<10240x128xf32, #tpu.memory_space<vmem_shared>> -> memref<80x128xf32, #tpu.memory_space<vmem_shared>>
        tpu.enqueue_dma source(%dma_start3A_63 : memref<80x128xf32, #tpu.memory_space<vmem_shared>>) target(%dma_start3A_61 : memref<80x128xf32, #tpu.memory_space<vmem>>) target_semaphore(%run_scoped3A_52 : memref<!tpu.dma_semaphore, #tpu.memory_space<semaphore_mem>>)
        %dma_wait3A = arith.constant 0 : i32
        %dma_wait3A_64 = arith.constant 0 : i32
        %dma_wait3A_65 = tpu.memref_slice %arg9[%run_scoped3A, %dma_wait3A, %dma_wait3A_64] : memref<3x80x128xf32, #tpu.memory_space<vmem>> -> memref<1x80x128xf32, #tpu.memory_space<vmem>>
        %dma_wait3A_66 = tpu.memref_squeeze %dma_wait3A_65 : memref<1x80x128xf32, #tpu.memory_space<vmem>> -> memref<80x128xf32, #tpu.memory_space<vmem>>
        %dma_wait3A_67 = arith.constant 0 : i32
        %dma_wait3A_68 = tpu.memref_slice %arg15[%multiple_of3A, %dma_wait3A_67] : memref<10240x128xf32, #tpu.memory_space<vmem_shared>> -> memref<80x128xf32, #tpu.memory_space<vmem_shared>>
        %dma_wait3A_69 = arith.constant 0 : i32
        %dma_wait3A_70 = arith.constant 0 : i32
        %dma_wait3A_71 = tpu.memref_slice %arg9[%run_scoped3A, %dma_wait3A_69, %dma_wait3A_70] : memref<3x80x128xf32, #tpu.memory_space<vmem>> -> memref<1x80x128xf32, #tpu.memory_space<vmem>>
        %dma_wait3A_72 = tpu.memref_squeeze %dma_wait3A_71 : memref<1x80x128xf32, #tpu.memory_space<vmem>> -> memref<80x128xf32, #tpu.memory_space<vmem>>
        %dma_wait3A_73 = arith.constant 0 : i32
        %dma_wait3A_74 = tpu.memref_slice %arg15[%multiple_of3A, %dma_wait3A_73] : memref<10240x128xf32, #tpu.memory_space<vmem_shared>> -> memref<80x128xf32, #tpu.memory_space<vmem_shared>>
        tpu.wait_dma2 semaphore(%run_scoped3A_52 : memref<!tpu.dma_semaphore, #tpu.memory_space<semaphore_mem>>) src(%dma_wait3A_74 : memref<80x128xf32, #tpu.memory_space<vmem_shared>>) dst(%dma_wait3A_72 : memref<80x128xf32, #tpu.memory_space<vmem>>)
        tpu.yield
      }) : () -> ()
      %run_scoped3A_45 = arith.constant 0 : i32
      "tpu.region"() ({
        %run_scoped3A_52 = tpu.sem_alloc : memref<!tpu.dma_semaphore, #tpu.memory_space<semaphore_mem>>
        %dma_start3A = arith.constant 0 : i32
        %dma_start3A_53 = arith.constant 0 : i32
        %dma_start3A_54 = tpu.memref_slice %arg9[%run_scoped3A_45, %dma_start3A, %dma_start3A_53] : memref<3x80x128xf32, #tpu.memory_space<vmem>> -> memref<1x80x128xf32, #tpu.memory_space<vmem>>
        %dma_start3A_55 = tpu.memref_squeeze %dma_start3A_54 : memref<1x80x128xf32, #tpu.memory_space<vmem>> -> memref<80x128xf32, #tpu.memory_space<vmem>>
        %dma_start3A_56 = arith.constant 0 : i32
        %dma_start3A_57 = tpu.memref_slice %arg5[%arg0, %multiple_of3A, %dma_start3A_56] : memref<2x10240x128xf32, #tpu.memory_space<hbm>> -> memref<1x80x128xf32, #tpu.memory_space<hbm>>
        %dma_start3A_58 = tpu.memref_squeeze %dma_start3A_57 : memref<1x80x128xf32, #tpu.memory_space<hbm>> -> memref<80x128xf32, #tpu.memory_space<hbm>>
        %dma_start3A_59 = arith.constant 0 : i32
        %dma_start3A_60 = tpu.memref_slice %arg5[%arg0, %multiple_of3A, %dma_start3A_59] : memref<2x10240x128xf32, #tpu.memory_space<hbm>> -> memref<1x80x128xf32, #tpu.memory_space<hbm>>
        %dma_start3A_61 = tpu.memref_squeeze %dma_start3A_60 : memref<1x80x128xf32, #tpu.memory_space<hbm>> -> memref<80x128xf32, #tpu.memory_space<hbm>>
        %dma_start3A_62 = arith.constant 0 : i32
        %dma_start3A_63 = arith.constant 0 : i32
        %dma_start3A_64 = tpu.memref_slice %arg9[%run_scoped3A_45, %dma_start3A_62, %dma_start3A_63] : memref<3x80x128xf32, #tpu.memory_space<vmem>> -> memref<1x80x128xf32, #tpu.memory_space<vmem>>
        %dma_start3A_65 = tpu.memref_squeeze %dma_start3A_64 : memref<1x80x128xf32, #tpu.memory_space<vmem>> -> memref<80x128xf32, #tpu.memory_space<vmem>>
        tpu.enqueue_dma source(%dma_start3A_65 : memref<80x128xf32, #tpu.memory_space<vmem>>) target(%dma_start3A_61 : memref<80x128xf32, #tpu.memory_space<hbm>>) target_semaphore(%run_scoped3A_52 : memref<!tpu.dma_semaphore, #tpu.memory_space<semaphore_mem>>)
        %dma_wait3A = arith.constant 0 : i32
        %dma_wait3A_66 = arith.constant 0 : i32
        %dma_wait3A_67 = tpu.memref_slice %arg9[%run_scoped3A_45, %dma_wait3A, %dma_wait3A_66] : memref<3x80x128xf32, #tpu.memory_space<vmem>> -> memref<1x80x128xf32, #tpu.memory_space<vmem>>
        %dma_wait3A_68 = tpu.memref_squeeze %dma_wait3A_67 : memref<1x80x128xf32, #tpu.memory_space<vmem>> -> memref<80x128xf32, #tpu.memory_space<vmem>>
        %dma_wait3A_69 = arith.constant 0 : i32
        %dma_wait3A_70 = tpu.memref_slice %arg5[%arg0, %multiple_of3A, %dma_wait3A_69] : memref<2x10240x128xf32, #tpu.memory_space<hbm>> -> memref<1x80x128xf32, #tpu.memory_space<hbm>>
        %dma_wait3A_71 = tpu.memref_squeeze %dma_wait3A_70 : memref<1x80x128xf32, #tpu.memory_space<hbm>> -> memref<80x128xf32, #tpu.memory_space<hbm>>
        %dma_wait3A_72 = arith.constant 0 : i32
        %dma_wait3A_73 = tpu.memref_slice %arg5[%arg0, %multiple_of3A, %dma_wait3A_72] : memref<2x10240x128xf32, #tpu.memory_space<hbm>> -> memref<1x80x128xf32, #tpu.memory_space<hbm>>
        %dma_wait3A_74 = tpu.memref_squeeze %dma_wait3A_73 : memref<1x80x128xf32, #tpu.memory_space<hbm>> -> memref<80x128xf32, #tpu.memory_space<hbm>>
        %dma_wait3A_75 = arith.constant 0 : i32
        %dma_wait3A_76 = arith.constant 0 : i32
        %dma_wait3A_77 = tpu.memref_slice %arg9[%run_scoped3A_45, %dma_wait3A_75, %dma_wait3A_76] : memref<3x80x128xf32, #tpu.memory_space<vmem>> -> memref<1x80x128xf32, #tpu.memory_space<vmem>>
        %dma_wait3A_78 = tpu.memref_squeeze %dma_wait3A_77 : memref<1x80x128xf32, #tpu.memory_space<vmem>> -> memref<80x128xf32, #tpu.memory_space<vmem>>
        tpu.wait_dma2 semaphore(%run_scoped3A_52 : memref<!tpu.dma_semaphore, #tpu.memory_space<semaphore_mem>>) src(%dma_wait3A_78 : memref<80x128xf32, #tpu.memory_space<vmem>>) dst(%dma_wait3A_74 : memref<80x128xf32, #tpu.memory_space<hbm>>)
        tpu.yield
      }) : () -> ()
      %run_scoped3A_46 = arith.constant 0 : i32
      "tpu.region"() ({
        %run_scoped3A_52 = tpu.sem_alloc : memref<!tpu.dma_semaphore, #tpu.memory_space<semaphore_mem>>
        %dma_start3A = arith.constant 0 : i32
        %dma_start3A_53 = tpu.memref_slice %arg10[%run_scoped3A_46, %dma_start3A] : memref<3x80xf32, #tpu.memory_space<vmem>> -> memref<1x80xf32, #tpu.memory_space<vmem>>
        %dma_start3A_54 = tpu.memref_squeeze %dma_start3A_53 : memref<1x80xf32, #tpu.memory_space<vmem>> -> memref<80xf32, #tpu.memory_space<vmem>>
        %dma_start3A_55 = tpu.memref_slice %arg16[%multiple_of3A] : memref<10240xf32, #tpu.memory_space<vmem_shared>> -> memref<80xf32, #tpu.memory_space<vmem_shared>>
        %dma_start3A_56 = arith.constant 0 : i32
        %dma_start3A_57 = tpu.memref_slice %arg10[%run_scoped3A_46, %dma_start3A_56] : memref<3x80xf32, #tpu.memory_space<vmem>> -> memref<1x80xf32, #tpu.memory_space<vmem>>
        %dma_start3A_58 = tpu.memref_squeeze %dma_start3A_57 : memref<1x80xf32, #tpu.memory_space<vmem>> -> memref<80xf32, #tpu.memory_space<vmem>>
        %dma_start3A_59 = tpu.memref_slice %arg16[%multiple_of3A] : memref<10240xf32, #tpu.memory_space<vmem_shared>> -> memref<80xf32, #tpu.memory_space<vmem_shared>>
        tpu.enqueue_dma source(%dma_start3A_59 : memref<80xf32, #tpu.memory_space<vmem_shared>>) target(%dma_start3A_58 : memref<80xf32, #tpu.memory_space<vmem>>) target_semaphore(%run_scoped3A_52 : memref<!tpu.dma_semaphore, #tpu.memory_space<semaphore_mem>>)
        %dma_wait3A = arith.constant 0 : i32
        %dma_wait3A_60 = tpu.memref_slice %arg10[%run_scoped3A_46, %dma_wait3A] : memref<3x80xf32, #tpu.memory_space<vmem>> -> memref<1x80xf32, #tpu.memory_space<vmem>>
        %dma_wait3A_61 = tpu.memref_squeeze %dma_wait3A_60 : memref<1x80xf32, #tpu.memory_space<vmem>> -> memref<80xf32, #tpu.memory_space<vmem>>
        %dma_wait3A_62 = tpu.memref_slice %arg16[%multiple_of3A] : memref<10240xf32, #tpu.memory_space<vmem_shared>> -> memref<80xf32, #tpu.memory_space<vmem_shared>>
        %dma_wait3A_63 = arith.constant 0 : i32
        %dma_wait3A_64 = tpu.memref_slice %arg10[%run_scoped3A_46, %dma_wait3A_63] : memref<3x80xf32, #tpu.memory_space<vmem>> -> memref<1x80xf32, #tpu.memory_space<vmem>>
        %dma_wait3A_65 = tpu.memref_squeeze %dma_wait3A_64 : memref<1x80xf32, #tpu.memory_space<vmem>> -> memref<80xf32, #tpu.memory_space<vmem>>
        %dma_wait3A_66 = tpu.memref_slice %arg16[%multiple_of3A] : memref<10240xf32, #tpu.memory_space<vmem_shared>> -> memref<80xf32, #tpu.memory_space<vmem_shared>>
        tpu.wait_dma2 semaphore(%run_scoped3A_52 : memref<!tpu.dma_semaphore, #tpu.memory_space<semaphore_mem>>) src(%dma_wait3A_66 : memref<80xf32, #tpu.memory_space<vmem_shared>>) dst(%dma_wait3A_65 : memref<80xf32, #tpu.memory_space<vmem>>)
        tpu.yield
      }) : () -> ()
      %mul3A_47 = arith.constant 10240 : i32
      %mul3A_48 = arith.muli %arg0, %mul3A_47 : i32
      %add3A_49 = arith.addi %mul3A_48, %multiple_of3A : i32
      %run_scoped3A_50 = arith.constant 0 : i32
      "tpu.region"() ({
        %run_scoped3A_52 = tpu.sem_alloc : memref<!tpu.dma_semaphore, #tpu.memory_space<semaphore_mem>>
        %dma_start3A = arith.constant 0 : i32
        %dma_start3A_53 = tpu.memref_slice %arg10[%run_scoped3A_50, %dma_start3A] : memref<3x80xf32, #tpu.memory_space<vmem>> -> memref<1x80xf32, #tpu.memory_space<vmem>>
        %dma_start3A_54 = tpu.memref_squeeze %dma_start3A_53 : memref<1x80xf32, #tpu.memory_space<vmem>> -> memref<80xf32, #tpu.memory_space<vmem>>
        %dma_start3A_55 = tpu.memref_slice %arg6[%add3A_49] : memref<20480xf32, #tpu.memory_space<hbm>> -> memref<80xf32, #tpu.memory_space<hbm>>
        %dma_start3A_56 = tpu.memref_slice %arg6[%add3A_49] : memref<20480xf32, #tpu.memory_space<hbm>> -> memref<80xf32, #tpu.memory_space<hbm>>
        %dma_start3A_57 = arith.constant 0 : i32
        %dma_start3A_58 = tpu.memref_slice %arg10[%run_scoped3A_50, %dma_start3A_57] : memref<3x80xf32, #tpu.memory_space<vmem>> -> memref<1x80xf32, #tpu.memory_space<vmem>>
        %dma_start3A_59 = tpu.memref_squeeze %dma_start3A_58 : memref<1x80xf32, #tpu.memory_space<vmem>> -> memref<80xf32, #tpu.memory_space<vmem>>
        tpu.enqueue_dma source(%dma_start3A_59 : memref<80xf32, #tpu.memory_space<vmem>>) target(%dma_start3A_56 : memref<80xf32, #tpu.memory_space<hbm>>) target_semaphore(%run_scoped3A_52 : memref<!tpu.dma_semaphore, #tpu.memory_space<semaphore_mem>>)
        %dma_wait3A = arith.constant 0 : i32
        %dma_wait3A_60 = tpu.memref_slice %arg10[%run_scoped3A_50, %dma_wait3A] : memref<3x80xf32, #tpu.memory_space<vmem>> -> memref<1x80xf32, #tpu.memory_space<vmem>>
        %dma_wait3A_61 = tpu.memref_squeeze %dma_wait3A_60 : memref<1x80xf32, #tpu.memory_space<vmem>> -> memref<80xf32, #tpu.memory_space<vmem>>
        %dma_wait3A_62 = tpu.memref_slice %arg6[%add3A_49] : memref<20480xf32, #tpu.memory_space<hbm>> -> memref<80xf32, #tpu.memory_space<hbm>>
        %dma_wait3A_63 = tpu.memref_slice %arg6[%add3A_49] : memref<20480xf32, #tpu.memory_space<hbm>> -> memref<80xf32, #tpu.memory_space<hbm>>
        %dma_wait3A_64 = arith.constant 0 : i32
        %dma_wait3A_65 = tpu.memref_slice %arg10[%run_scoped3A_50, %dma_wait3A_64] : memref<3x80xf32, #tpu.memory_space<vmem>> -> memref<1x80xf32, #tpu.memory_space<vmem>>
        %dma_wait3A_66 = tpu.memref_squeeze %dma_wait3A_65 : memref<1x80xf32, #tpu.memory_space<vmem>> -> memref<80xf32, #tpu.memory_space<vmem>>
        tpu.wait_dma2 semaphore(%run_scoped3A_52 : memref<!tpu.dma_semaphore, #tpu.memory_space<semaphore_mem>>) src(%dma_wait3A_66 : memref<80xf32, #tpu.memory_space<vmem>>) dst(%dma_wait3A_63 : memref<80xf32, #tpu.memory_space<hbm>>)
        tpu.yield
      }) : () -> ()
      %scan3A_51 = arith.constant 0 : i32
      scf.yield %scan3A_51 : i32
    }
    %scan3A_37 = arith.constant 8 : i32
    return
  }
}

#map = affine_map<(d0, d1) -> (0, 0)>
#map1 = affine_map<(d0, d1) -> (0)>
module attributes {stable_mosaic.version = 14 : i64} {
  func.func @deg_kernel(%arg0: i32, %arg1: i32, %arg2: memref<2x320000xi32, #tpu.memory_space<hbm>>, %arg3: memref<20480xf32, #tpu.memory_space<hbm>>, %arg4: memref<20480xf32, #tpu.memory_space<hbm>>, %arg5: memref<8x2x128xi32, #tpu.memory_space<vmem>>, %arg6: memref<128xf32, #tpu.memory_space<vmem>>, %arg7: memref<640xf32, #tpu.memory_space<vmem>>, %arg8: memref<8x!tpu.dma_semaphore, #tpu.memory_space<semaphore_mem>>, %arg9: memref<8x!tpu.dma_semaphore, #tpu.memory_space<semaphore_mem>>, %arg10: memref<8x!tpu.dma_semaphore, #tpu.memory_space<semaphore_mem>>, %arg11: memref<10240xf32, #tpu.memory_space<vmem_shared>>, %arg12: memref<10240xf32, #tpu.memory_space<vmem_shared>>) attributes {dimension_semantics = [#tpu.dimension_semantics<core_parallel>, #tpu.dimension_semantics<subcore_parallel>], iteration_bounds = array<i64: 2, 16>, scalar_prefetch = 0 : i64, scratch_operands = 8 : i64, tpu.core_type = #tpu.core_type<sc_vector_subcore>, window_params = [{transform_indices = #map}, {transform_indices = #map1}, {transform_indices = #map1}]} {
    %mul3A = arith.constant 2 : i32
    %mul3A_0 = arith.muli %arg1, %mul3A : i32
    %add3A = arith.addi %mul3A_0, %arg0 : i32
    %mul3A_1 = arith.constant 78 : i32
    %mul3A_2 = arith.muli %add3A, %mul3A_1 : i32
    %mul3A_3 = arith.constant 128 : i32
    %mul3A_4 = arith.muli %mul3A_2, %mul3A_3 : i32
    %scan3A = arith.constant 0 : i32
    %scan3A_5 = arith.constant 0 : i32
    %scan3A_6 = arith.constant 8 : i32
    %scan3A_7 = arith.addi %scan3A_5, %scan3A_6 : i32
    %scan3A_8 = arith.constant 1 : i32
    %scan3A_9 = scf.for %scan3A_196 = %scan3A_5 to %scan3A_7 step %scan3A_8 iter_args(%scan3A_197 = %scan3A) -> (i32)  : i32 {
      %broadcast_in_dim3A = arith.constant 1.000000e+00 : f32
      %broadcast_in_dim3A_198 = vector.broadcast %broadcast_in_dim3A : f32 to vector<16xf32>
      %mul3A_199 = arith.constant 16 : i32
      %mul3A_200 = arith.muli %scan3A_196, %mul3A_199 : i32
      %swap3A = arith.index_cast %mul3A_200 : i32 to index
      %swap3A_201 = tpu.vector_load %arg6[%swap3A] {strides = array<i32>} : memref<128xf32, #tpu.memory_space<vmem>>, vector<16xf32>,
      %swap3A_202 = vector.shape_cast %swap3A_201 : vector<16xf32> to vector<16xf32>
      %swap3A_203 = vector.shape_cast %broadcast_in_dim3A_198 : vector<16xf32> to vector<16xf32>
      tpu.vector_store %arg6[%swap3A], %swap3A_203 {strides = array<i32>} : memref<128xf32, #tpu.memory_space<vmem>>, vector<16xf32>,
      %scan3A_204 = arith.constant 0 : i32
      scf.yield %scan3A_204 : i32
    }
    %scan3A_10 = arith.constant 8 : i32
    %scan3A_11 = arith.constant 0 : i32
    %scan3A_12 = arith.constant 0 : i32
    %scan3A_13 = arith.constant 40 : i32
    %scan3A_14 = arith.addi %scan3A_12, %scan3A_13 : i32
    %scan3A_15 = arith.constant 1 : i32
    %scan3A_16 = scf.for %scan3A_196 = %scan3A_12 to %scan3A_14 step %scan3A_15 iter_args(%scan3A_197 = %scan3A_11) -> (i32)  : i32 {
      %broadcast_in_dim3A = arith.constant 0.000000e+00 : f32
      %broadcast_in_dim3A_198 = vector.broadcast %broadcast_in_dim3A : f32 to vector<16xf32>
      %mul3A_199 = arith.constant 16 : i32
      %mul3A_200 = arith.muli %scan3A_196, %mul3A_199 : i32
      %swap3A = arith.index_cast %mul3A_200 : i32 to index
      %swap3A_201 = tpu.vector_load %arg7[%swap3A] {strides = array<i32>} : memref<640xf32, #tpu.memory_space<vmem>>, vector<16xf32>,
      %swap3A_202 = vector.shape_cast %swap3A_201 : vector<16xf32> to vector<16xf32>
      %swap3A_203 = vector.shape_cast %broadcast_in_dim3A_198 : vector<16xf32> to vector<16xf32>
      tpu.vector_store %arg7[%swap3A], %swap3A_203 {strides = array<i32>} : memref<640xf32, #tpu.memory_space<vmem>>, vector<16xf32>,
      %scan3A_204 = arith.constant 0 : i32
      scf.yield %scan3A_204 : i32
    }
    %scan3A_17 = arith.constant 40 : i32
    %mul3A_18 = arith.constant 640 : i32
    %mul3A_19 = arith.muli %arg1, %mul3A_18 : i32
    "tpu.region"() ({
      %run_scoped3A = tpu.sem_alloc : memref<!tpu.dma_semaphore, #tpu.memory_space<semaphore_mem>>
      %dma_start3A_196 = tpu.memref_slice %arg11[%mul3A_19] : memref<10240xf32, #tpu.memory_space<vmem_shared>> -> memref<640xf32, #tpu.memory_space<vmem_shared>>
      %dma_start3A_197 = tpu.memref_slice %arg11[%mul3A_19] : memref<10240xf32, #tpu.memory_space<vmem_shared>> -> memref<640xf32, #tpu.memory_space<vmem_shared>>
      tpu.enqueue_dma source(%arg7 : memref<640xf32, #tpu.memory_space<vmem>>) target(%dma_start3A_197 : memref<640xf32, #tpu.memory_space<vmem_shared>>) target_semaphore(%run_scoped3A : memref<!tpu.dma_semaphore, #tpu.memory_space<semaphore_mem>>)
      %dma_wait3A_198 = tpu.memref_slice %arg11[%mul3A_19] : memref<10240xf32, #tpu.memory_space<vmem_shared>> -> memref<640xf32, #tpu.memory_space<vmem_shared>>
      %dma_wait3A_199 = tpu.memref_slice %arg11[%mul3A_19] : memref<10240xf32, #tpu.memory_space<vmem_shared>> -> memref<640xf32, #tpu.memory_space<vmem_shared>>
      tpu.wait_dma2 semaphore(%run_scoped3A : memref<!tpu.dma_semaphore, #tpu.memory_space<semaphore_mem>>) src(%arg7 : memref<640xf32, #tpu.memory_space<vmem>>) dst(%dma_wait3A_199 : memref<640xf32, #tpu.memory_space<vmem_shared>>)
      tpu.yield
    }) : () -> ()
    %mul3A_20 = arith.constant 640 : i32
    %mul3A_21 = arith.muli %arg1, %mul3A_20 : i32
    "tpu.region"() ({
      %run_scoped3A = tpu.sem_alloc : memref<!tpu.dma_semaphore, #tpu.memory_space<semaphore_mem>>
      %dma_start3A_196 = tpu.memref_slice %arg12[%mul3A_21] : memref<10240xf32, #tpu.memory_space<vmem_shared>> -> memref<640xf32, #tpu.memory_space<vmem_shared>>
      %dma_start3A_197 = tpu.memref_slice %arg12[%mul3A_21] : memref<10240xf32, #tpu.memory_space<vmem_shared>> -> memref<640xf32, #tpu.memory_space<vmem_shared>>
      tpu.enqueue_dma source(%arg7 : memref<640xf32, #tpu.memory_space<vmem>>) target(%dma_start3A_197 : memref<640xf32, #tpu.memory_space<vmem_shared>>) target_semaphore(%run_scoped3A : memref<!tpu.dma_semaphore, #tpu.memory_space<semaphore_mem>>)
      %dma_wait3A_198 = tpu.memref_slice %arg12[%mul3A_21] : memref<10240xf32, #tpu.memory_space<vmem_shared>> -> memref<640xf32, #tpu.memory_space<vmem_shared>>
      %dma_wait3A_199 = tpu.memref_slice %arg12[%mul3A_21] : memref<10240xf32, #tpu.memory_space<vmem_shared>> -> memref<640xf32, #tpu.memory_space<vmem_shared>>
      tpu.wait_dma2 semaphore(%run_scoped3A : memref<!tpu.dma_semaphore, #tpu.memory_space<semaphore_mem>>) src(%arg7 : memref<640xf32, #tpu.memory_space<vmem>>) dst(%dma_wait3A_199 : memref<640xf32, #tpu.memory_space<vmem_shared>>)
      tpu.yield
    }) : () -> ()
    %barrier3A = arith.constant 0 : index
    tpu.barrier barrier_id(%barrier3A)
    %add3A_22 = arith.constant 0 : i32
    %add3A_23 = arith.addi %mul3A_4, %add3A_22 : i32
    %dma_start3A = arith.constant 0 : i32
    %dma_start3A_24 = arith.constant 0 : i32
    %dma_start3A_25 = arith.constant 0 : i32
    %dma_start3A_26 = arith.constant 0 : i32
    %dma_start3A_27 = tpu.memref_slice %arg5[%dma_start3A, %dma_start3A_25, %dma_start3A_26] : memref<8x2x128xi32, #tpu.memory_space<vmem>> -> memref<1x2x128xi32, #tpu.memory_space<vmem>>
    %dma_start3A_28 = tpu.memref_squeeze %dma_start3A_27 : memref<1x2x128xi32, #tpu.memory_space<vmem>> -> memref<2x128xi32, #tpu.memory_space<vmem>>
    %dma_start3A_29 = arith.constant 0 : i32
    %dma_start3A_30 = tpu.memref_slice %arg2[%dma_start3A_29, %add3A_23] : memref<2x320000xi32, #tpu.memory_space<hbm>> -> memref<2x128xi32, #tpu.memory_space<hbm>>
    %dma_start3A_31 = tpu.memref_slice %arg8[%dma_start3A_24] : memref<8x!tpu.dma_semaphore, #tpu.memory_space<semaphore_mem>> -> memref<1x!tpu.dma_semaphore, #tpu.memory_space<semaphore_mem>>
    %dma_start3A_32 = tpu.memref_squeeze %dma_start3A_31 : memref<1x!tpu.dma_semaphore, #tpu.memory_space<semaphore_mem>> -> memref<!tpu.dma_semaphore, #tpu.memory_space<semaphore_mem>>
    %dma_start3A_33 = arith.constant 0 : i32
    %dma_start3A_34 = arith.constant 0 : i32
    %dma_start3A_35 = tpu.memref_slice %arg5[%dma_start3A, %dma_start3A_33, %dma_start3A_34] : memref<8x2x128xi32, #tpu.memory_space<vmem>> -> memref<1x2x128xi32, #tpu.memory_space<vmem>>
    %dma_start3A_36 = tpu.memref_squeeze %dma_start3A_35 : memref<1x2x128xi32, #tpu.memory_space<vmem>> -> memref<2x128xi32, #tpu.memory_space<vmem>>
    %dma_start3A_37 = arith.constant 0 : i32
    %dma_start3A_38 = tpu.memref_slice %arg2[%dma_start3A_37, %add3A_23] : memref<2x320000xi32, #tpu.memory_space<hbm>> -> memref<2x128xi32, #tpu.memory_space<hbm>>
    tpu.enqueue_dma source(%dma_start3A_38 : memref<2x128xi32, #tpu.memory_space<hbm>>) target(%dma_start3A_36 : memref<2x128xi32, #tpu.memory_space<vmem>>) target_semaphore(%dma_start3A_32 : memref<!tpu.dma_semaphore, #tpu.memory_space<semaphore_mem>>)
    %add3A_39 = arith.constant 128 : i32
    %add3A_40 = arith.addi %mul3A_4, %add3A_39 : i32
    %dma_start3A_41 = arith.constant 1 : i32
    %dma_start3A_42 = arith.constant 1 : i32
    %dma_start3A_43 = arith.constant 0 : i32
    %dma_start3A_44 = arith.constant 0 : i32
    %dma_start3A_45 = tpu.memref_slice %arg5[%dma_start3A_41, %dma_start3A_43, %dma_start3A_44] : memref<8x2x128xi32, #tpu.memory_space<vmem>> -> memref<1x2x128xi32, #tpu.memory_space<vmem>>
    %dma_start3A_46 = tpu.memref_squeeze %dma_start3A_45 : memref<1x2x128xi32, #tpu.memory_space<vmem>> -> memref<2x128xi32, #tpu.memory_space<vmem>>
    %dma_start3A_47 = arith.constant 0 : i32
    %dma_start3A_48 = tpu.memref_slice %arg2[%dma_start3A_47, %add3A_40] : memref<2x320000xi32, #tpu.memory_space<hbm>> -> memref<2x128xi32, #tpu.memory_space<hbm>>
    %dma_start3A_49 = tpu.memref_slice %arg8[%dma_start3A_42] : memref<8x!tpu.dma_semaphore, #tpu.memory_space<semaphore_mem>> -> memref<1x!tpu.dma_semaphore, #tpu.memory_space<semaphore_mem>>
    %dma_start3A_50 = tpu.memref_squeeze %dma_start3A_49 : memref<1x!tpu.dma_semaphore, #tpu.memory_space<semaphore_mem>> -> memref<!tpu.dma_semaphore, #tpu.memory_space<semaphore_mem>>
    %dma_start3A_51 = arith.constant 0 : i32
    %dma_start3A_52 = arith.constant 0 : i32
    %dma_start3A_53 = tpu.memref_slice %arg5[%dma_start3A_41, %dma_start3A_51, %dma_start3A_52] : memref<8x2x128xi32, #tpu.memory_space<vmem>> -> memref<1x2x128xi32, #tpu.memory_space<vmem>>
    %dma_start3A_54 = tpu.memref_squeeze %dma_start3A_53 : memref<1x2x128xi32, #tpu.memory_space<vmem>> -> memref<2x128xi32, #tpu.memory_space<vmem>>
    %dma_start3A_55 = arith.constant 0 : i32
    %dma_start3A_56 = tpu.memref_slice %arg2[%dma_start3A_55, %add3A_40] : memref<2x320000xi32, #tpu.memory_space<hbm>> -> memref<2x128xi32, #tpu.memory_space<hbm>>
    tpu.enqueue_dma source(%dma_start3A_56 : memref<2x128xi32, #tpu.memory_space<hbm>>) target(%dma_start3A_54 : memref<2x128xi32, #tpu.memory_space<vmem>>) target_semaphore(%dma_start3A_50 : memref<!tpu.dma_semaphore, #tpu.memory_space<semaphore_mem>>)
    %add3A_57 = arith.constant 256 : i32
    %add3A_58 = arith.addi %mul3A_4, %add3A_57 : i32
    %dma_start3A_59 = arith.constant 2 : i32
    %dma_start3A_60 = arith.constant 2 : i32
    %dma_start3A_61 = arith.constant 0 : i32
    %dma_start3A_62 = arith.constant 0 : i32
    %dma_start3A_63 = tpu.memref_slice %arg5[%dma_start3A_59, %dma_start3A_61, %dma_start3A_62] : memref<8x2x128xi32, #tpu.memory_space<vmem>> -> memref<1x2x128xi32, #tpu.memory_space<vmem>>
    %dma_start3A_64 = tpu.memref_squeeze %dma_start3A_63 : memref<1x2x128xi32, #tpu.memory_space<vmem>> -> memref<2x128xi32, #tpu.memory_space<vmem>>
    %dma_start3A_65 = arith.constant 0 : i32
    %dma_start3A_66 = tpu.memref_slice %arg2[%dma_start3A_65, %add3A_58] : memref<2x320000xi32, #tpu.memory_space<hbm>> -> memref<2x128xi32, #tpu.memory_space<hbm>>
    %dma_start3A_67 = tpu.memref_slice %arg8[%dma_start3A_60] : memref<8x!tpu.dma_semaphore, #tpu.memory_space<semaphore_mem>> -> memref<1x!tpu.dma_semaphore, #tpu.memory_space<semaphore_mem>>
    %dma_start3A_68 = tpu.memref_squeeze %dma_start3A_67 : memref<1x!tpu.dma_semaphore, #tpu.memory_space<semaphore_mem>> -> memref<!tpu.dma_semaphore, #tpu.memory_space<semaphore_mem>>
    %dma_start3A_69 = arith.constant 0 : i32
    %dma_start3A_70 = arith.constant 0 : i32
    %dma_start3A_71 = tpu.memref_slice %arg5[%dma_start3A_59, %dma_start3A_69, %dma_start3A_70] : memref<8x2x128xi32, #tpu.memory_space<vmem>> -> memref<1x2x128xi32, #tpu.memory_space<vmem>>
    %dma_start3A_72 = tpu.memref_squeeze %dma_start3A_71 : memref<1x2x128xi32, #tpu.memory_space<vmem>> -> memref<2x128xi32, #tpu.memory_space<vmem>>
    %dma_start3A_73 = arith.constant 0 : i32
    %dma_start3A_74 = tpu.memref_slice %arg2[%dma_start3A_73, %add3A_58] : memref<2x320000xi32, #tpu.memory_space<hbm>> -> memref<2x128xi32, #tpu.memory_space<hbm>>
    tpu.enqueue_dma source(%dma_start3A_74 : memref<2x128xi32, #tpu.memory_space<hbm>>) target(%dma_start3A_72 : memref<2x128xi32, #tpu.memory_space<vmem>>) target_semaphore(%dma_start3A_68 : memref<!tpu.dma_semaphore, #tpu.memory_space<semaphore_mem>>)
    %add3A_75 = arith.constant 384 : i32
    %add3A_76 = arith.addi %mul3A_4, %add3A_75 : i32
    %dma_start3A_77 = arith.constant 3 : i32
    %dma_start3A_78 = arith.constant 3 : i32
    %dma_start3A_79 = arith.constant 0 : i32
    %dma_start3A_80 = arith.constant 0 : i32
    %dma_start3A_81 = tpu.memref_slice %arg5[%dma_start3A_77, %dma_start3A_79, %dma_start3A_80] : memref<8x2x128xi32, #tpu.memory_space<vmem>> -> memref<1x2x128xi32, #tpu.memory_space<vmem>>
    %dma_start3A_82 = tpu.memref_squeeze %dma_start3A_81 : memref<1x2x128xi32, #tpu.memory_space<vmem>> -> memref<2x128xi32, #tpu.memory_space<vmem>>
    %dma_start3A_83 = arith.constant 0 : i32
    %dma_start3A_84 = tpu.memref_slice %arg2[%dma_start3A_83, %add3A_76] : memref<2x320000xi32, #tpu.memory_space<hbm>> -> memref<2x128xi32, #tpu.memory_space<hbm>>
    %dma_start3A_85 = tpu.memref_slice %arg8[%dma_start3A_78] : memref<8x!tpu.dma_semaphore, #tpu.memory_space<semaphore_mem>> -> memref<1x!tpu.dma_semaphore, #tpu.memory_space<semaphore_mem>>
    %dma_start3A_86 = tpu.memref_squeeze %dma_start3A_85 : memref<1x!tpu.dma_semaphore, #tpu.memory_space<semaphore_mem>> -> memref<!tpu.dma_semaphore, #tpu.memory_space<semaphore_mem>>
    %dma_start3A_87 = arith.constant 0 : i32
    %dma_start3A_88 = arith.constant 0 : i32
    %dma_start3A_89 = tpu.memref_slice %arg5[%dma_start3A_77, %dma_start3A_87, %dma_start3A_88] : memref<8x2x128xi32, #tpu.memory_space<vmem>> -> memref<1x2x128xi32, #tpu.memory_space<vmem>>
    %dma_start3A_90 = tpu.memref_squeeze %dma_start3A_89 : memref<1x2x128xi32, #tpu.memory_space<vmem>> -> memref<2x128xi32, #tpu.memory_space<vmem>>
    %dma_start3A_91 = arith.constant 0 : i32
    %dma_start3A_92 = tpu.memref_slice %arg2[%dma_start3A_91, %add3A_76] : memref<2x320000xi32, #tpu.memory_space<hbm>> -> memref<2x128xi32, #tpu.memory_space<hbm>>
    tpu.enqueue_dma source(%dma_start3A_92 : memref<2x128xi32, #tpu.memory_space<hbm>>) target(%dma_start3A_90 : memref<2x128xi32, #tpu.memory_space<vmem>>) target_semaphore(%dma_start3A_86 : memref<!tpu.dma_semaphore, #tpu.memory_space<semaphore_mem>>)
    %scan3A_93 = arith.constant 0 : i32
    %scan3A_94 = arith.constant 0 : i32
    %scan3A_95 = arith.constant 78 : i32
    %scan3A_96 = arith.addi %scan3A_94, %scan3A_95 : i32
    %scan3A_97 = arith.constant 1 : i32
    %scan3A_98 = scf.for %scan3A_196 = %scan3A_94 to %scan3A_96 step %scan3A_97 iter_args(%scan3A_197 = %scan3A_93) -> (i32)  : i32 {
      %add3A_198 = arith.constant 4 : i32
      %add3A_199 = arith.addi %scan3A_196, %add3A_198 : i32
      %rem3A = arith.constant 8 : i32
      %rem3A_200 = arith.remsi %add3A_199, %rem3A : i32
      %add3A_201 = arith.constant 4 : i32
      %add3A_202 = arith.addi %scan3A_196, %add3A_201 : i32
      %ge3A = arith.constant 8 : i32
      %ge3A_203 = arith.cmpi sge, %add3A_202, %ge3A : i32
      %convert_element_type3A_204 = arith.extui %ge3A_203 : i1 to i32
      %cond3A_205 = arith.constant 0 : i32
      %cond3A_206 = arith.cmpi ne, %convert_element_type3A_204, %cond3A_205 : i32
      scf.if %cond3A_206 {
        %add3A_250 = arith.constant 4 : i32
        %add3A_251 = arith.addi %scan3A_196, %add3A_250 : i32
        %sub3A = arith.constant 8 : i32
        %sub3A_252 = arith.subi %add3A_251, %sub3A : i32
        %dma_wait3A_253 = arith.constant 0 : i32
        %dma_wait3A_254 = arith.constant 0 : i32
        %dma_wait3A_255 = tpu.memref_slice %arg5[%rem3A_200, %dma_wait3A_253, %dma_wait3A_254] : memref<8x2x128xi32, #tpu.memory_space<vmem>> -> memref<1x1x128xi32, #tpu.memory_space<vmem>>
        %dma_wait3A_256 = tpu.memref_squeeze %dma_wait3A_255 : memref<1x1x128xi32, #tpu.memory_space<vmem>> -> memref<128xi32, #tpu.memory_space<vmem>>
        %dma_wait3A_257 = arith.constant 0 : i32
        %dma_wait3A_258 = tpu.memref_slice %arg11[%dma_wait3A_257] : memref<10240xf32, #tpu.memory_space<vmem_shared>> -> memref<10240xf32, #tpu.memory_space<vmem_shared>>
        %dma_wait3A_259 = tpu.memref_slice %arg9[%rem3A_200] : memref<8x!tpu.dma_semaphore, #tpu.memory_space<semaphore_mem>> -> memref<1x!tpu.dma_semaphore, #tpu.memory_space<semaphore_mem>>
        %dma_wait3A_260 = tpu.memref_squeeze %dma_wait3A_259 : memref<1x!tpu.dma_semaphore, #tpu.memory_space<semaphore_mem>> -> memref<!tpu.dma_semaphore, #tpu.memory_space<semaphore_mem>>
        tpu.wait_indirect_dma semaphore(%dma_wait3A_260 : memref<!tpu.dma_semaphore, #tpu.memory_space<semaphore_mem>>) src(%arg6 : memref<128xf32, #tpu.memory_space<vmem>>) dst(%dma_wait3A_258 : memref<10240xf32, #tpu.memory_space<vmem_shared>>)
        %dma_wait3A_261 = arith.constant 1 : i32
        %dma_wait3A_262 = arith.constant 0 : i32
        %dma_wait3A_263 = tpu.memref_slice %arg5[%rem3A_200, %dma_wait3A_261, %dma_wait3A_262] : memref<8x2x128xi32, #tpu.memory_space<vmem>> -> memref<1x1x128xi32, #tpu.memory_space<vmem>>
        %dma_wait3A_264 = tpu.memref_squeeze %dma_wait3A_263 : memref<1x1x128xi32, #tpu.memory_space<vmem>> -> memref<128xi32, #tpu.memory_space<vmem>>
        %dma_wait3A_265 = arith.constant 0 : i32
        %dma_wait3A_266 = tpu.memref_slice %arg12[%dma_wait3A_265] : memref<10240xf32, #tpu.memory_space<vmem_shared>> -> memref<10240xf32, #tpu.memory_space<vmem_shared>>
        %dma_wait3A_267 = tpu.memref_slice %arg10[%rem3A_200] : memref<8x!tpu.dma_semaphore, #tpu.memory_space<semaphore_mem>> -> memref<1x!tpu.dma_semaphore, #tpu.memory_space<semaphore_mem>>
        %dma_wait3A_268 = tpu.memref_squeeze %dma_wait3A_267 : memref<1x!tpu.dma_semaphore, #tpu.memory_space<semaphore_mem>> -> memref<!tpu.dma_semaphore, #tpu.memory_space<semaphore_mem>>
        tpu.wait_indirect_dma semaphore(%dma_wait3A_268 : memref<!tpu.dma_semaphore, #tpu.memory_space<semaphore_mem>>) src(%arg6 : memref<128xf32, #tpu.memory_space<vmem>>) dst(%dma_wait3A_266 : memref<10240xf32, #tpu.memory_space<vmem_shared>>)
      } else {
      }
      %add3A_207 = arith.constant 4 : i32
      %add3A_208 = arith.addi %scan3A_196, %add3A_207 : i32
      %lt3A_209 = arith.constant 78 : i32
      %lt3A_210 = arith.cmpi slt, %add3A_208, %lt3A_209 : i32
      %convert_element_type3A_211 = arith.extui %lt3A_210 : i1 to i32
      %cond3A_212 = arith.constant 0 : i32
      %cond3A_213 = arith.cmpi ne, %convert_element_type3A_211, %cond3A_212 : i32
      scf.if %cond3A_213 {
        %add3A_250 = arith.constant 4 : i32
        %add3A_251 = arith.addi %scan3A_196, %add3A_250 : i32
        %mul3A_252 = arith.constant 128 : i32
        %mul3A_253 = arith.muli %add3A_251, %mul3A_252 : i32
        %add3A_254 = arith.addi %mul3A_4, %mul3A_253 : i32
        %dma_start3A_255 = arith.constant 0 : i32
        %dma_start3A_256 = arith.constant 0 : i32
        %dma_start3A_257 = tpu.memref_slice %arg5[%rem3A_200, %dma_start3A_255, %dma_start3A_256] : memref<8x2x128xi32, #tpu.memory_space<vmem>> -> memref<1x2x128xi32, #tpu.memory_space<vmem>>
        %dma_start3A_258 = tpu.memref_squeeze %dma_start3A_257 : memref<1x2x128xi32, #tpu.memory_space<vmem>> -> memref<2x128xi32, #tpu.memory_space<vmem>>
        %dma_start3A_259 = arith.constant 0 : i32
        %dma_start3A_260 = tpu.memref_slice %arg2[%dma_start3A_259, %add3A_254] : memref<2x320000xi32, #tpu.memory_space<hbm>> -> memref<2x128xi32, #tpu.memory_space<hbm>>
        %dma_start3A_261 = tpu.memref_slice %arg8[%rem3A_200] : memref<8x!tpu.dma_semaphore, #tpu.memory_space<semaphore_mem>> -> memref<1x!tpu.dma_semaphore, #tpu.memory_space<semaphore_mem>>
        %dma_start3A_262 = tpu.memref_squeeze %dma_start3A_261 : memref<1x!tpu.dma_semaphore, #tpu.memory_space<semaphore_mem>> -> memref<!tpu.dma_semaphore, #tpu.memory_space<semaphore_mem>>
        %dma_start3A_263 = arith.constant 0 : i32
        %dma_start3A_264 = arith.constant 0 : i32
        %dma_start3A_265 = tpu.memref_slice %arg5[%rem3A_200, %dma_start3A_263, %dma_start3A_264] : memref<8x2x128xi32, #tpu.memory_space<vmem>> -> memref<1x2x128xi32, #tpu.memory_space<vmem>>
        %dma_start3A_266 = tpu.memref_squeeze %dma_start3A_265 : memref<1x2x128xi32, #tpu.memory_space<vmem>> -> memref<2x128xi32, #tpu.memory_space<vmem>>
        %dma_start3A_267 = arith.constant 0 : i32
        %dma_start3A_268 = tpu.memref_slice %arg2[%dma_start3A_267, %add3A_254] : memref<2x320000xi32, #tpu.memory_space<hbm>> -> memref<2x128xi32, #tpu.memory_space<hbm>>
        tpu.enqueue_dma source(%dma_start3A_268 : memref<2x128xi32, #tpu.memory_space<hbm>>) target(%dma_start3A_266 : memref<2x128xi32, #tpu.memory_space<vmem>>) target_semaphore(%dma_start3A_262 : memref<!tpu.dma_semaphore, #tpu.memory_space<semaphore_mem>>)
      } else {
      }
      %rem3A_214 = arith.constant 8 : i32
      %rem3A_215 = arith.remsi %scan3A_196, %rem3A_214 : i32
      %mul3A_216 = arith.constant 128 : i32
      %mul3A_217 = arith.muli %scan3A_196, %mul3A_216 : i32
      %add3A_218 = arith.addi %mul3A_4, %mul3A_217 : i32
      %dma_wait3A_219 = arith.constant 0 : i32
      %dma_wait3A_220 = arith.constant 0 : i32
      %dma_wait3A_221 = tpu.memref_slice %arg5[%rem3A_215, %dma_wait3A_219, %dma_wait3A_220] : memref<8x2x128xi32, #tpu.memory_space<vmem>> -> memref<1x2x128xi32, #tpu.memory_space<vmem>>
      %dma_wait3A_222 = tpu.memref_squeeze %dma_wait3A_221 : memref<1x2x128xi32, #tpu.memory_space<vmem>> -> memref<2x128xi32, #tpu.memory_space<vmem>>
      %dma_wait3A_223 = arith.constant 0 : i32
      %dma_wait3A_224 = tpu.memref_slice %arg2[%dma_wait3A_223, %add3A_218] : memref<2x320000xi32, #tpu.memory_space<hbm>> -> memref<2x128xi32, #tpu.memory_space<hbm>>
      %dma_wait3A_225 = tpu.memref_slice %arg8[%rem3A_215] : memref<8x!tpu.dma_semaphore, #tpu.memory_space<semaphore_mem>> -> memref<1x!tpu.dma_semaphore, #tpu.memory_space<semaphore_mem>>
      %dma_wait3A_226 = tpu.memref_squeeze %dma_wait3A_225 : memref<1x!tpu.dma_semaphore, #tpu.memory_space<semaphore_mem>> -> memref<!tpu.dma_semaphore, #tpu.memory_space<semaphore_mem>>
      %dma_wait3A_227 = arith.constant 0 : i32
      %dma_wait3A_228 = arith.constant 0 : i32
      %dma_wait3A_229 = tpu.memref_slice %arg5[%rem3A_215, %dma_wait3A_227, %dma_wait3A_228] : memref<8x2x128xi32, #tpu.memory_space<vmem>> -> memref<1x2x128xi32, #tpu.memory_space<vmem>>
      %dma_wait3A_230 = tpu.memref_squeeze %dma_wait3A_229 : memref<1x2x128xi32, #tpu.memory_space<vmem>> -> memref<2x128xi32, #tpu.memory_space<vmem>>
      %dma_wait3A_231 = arith.constant 0 : i32
      %dma_wait3A_232 = tpu.memref_slice %arg2[%dma_wait3A_231, %add3A_218] : memref<2x320000xi32, #tpu.memory_space<hbm>> -> memref<2x128xi32, #tpu.memory_space<hbm>>
      tpu.wait_dma2 semaphore(%dma_wait3A_226 : memref<!tpu.dma_semaphore, #tpu.memory_space<semaphore_mem>>) src(%dma_wait3A_232 : memref<2x128xi32, #tpu.memory_space<hbm>>) dst(%dma_wait3A_230 : memref<2x128xi32, #tpu.memory_space<vmem>>)
      %dma_start3A_233 = arith.constant 0 : i32
      %dma_start3A_234 = arith.constant 0 : i32
      %dma_start3A_235 = tpu.memref_slice %arg5[%rem3A_215, %dma_start3A_233, %dma_start3A_234] : memref<8x2x128xi32, #tpu.memory_space<vmem>> -> memref<1x1x128xi32, #tpu.memory_space<vmem>>
      %dma_start3A_236 = tpu.memref_squeeze %dma_start3A_235 : memref<1x1x128xi32, #tpu.memory_space<vmem>> -> memref<128xi32, #tpu.memory_space<vmem>>
      %dma_start3A_237 = arith.constant 0 : i32
      %dma_start3A_238 = tpu.memref_slice %arg11[%dma_start3A_237] : memref<10240xf32, #tpu.memory_space<vmem_shared>> -> memref<10240xf32, #tpu.memory_space<vmem_shared>>
      %dma_start3A_239 = tpu.memref_slice %arg9[%rem3A_215] : memref<8x!tpu.dma_semaphore, #tpu.memory_space<semaphore_mem>> -> memref<1x!tpu.dma_semaphore, #tpu.memory_space<semaphore_mem>>
      %dma_start3A_240 = tpu.memref_squeeze %dma_start3A_239 : memref<1x!tpu.dma_semaphore, #tpu.memory_space<semaphore_mem>> -> memref<!tpu.dma_semaphore, #tpu.memory_space<semaphore_mem>>
      tpu.enqueue_indirect_dma source(%arg6 : memref<128xf32, #tpu.memory_space<vmem>>) target(%dma_start3A_238 : memref<10240xf32, #tpu.memory_space<vmem_shared>>) offsets(%dma_start3A_236 : memref<128xi32, #tpu.memory_space<vmem>>) semaphore(%dma_start3A_240 : memref<!tpu.dma_semaphore, #tpu.memory_space<semaphore_mem>>) {add = true}
      %dma_start3A_241 = arith.constant 1 : i32
      %dma_start3A_242 = arith.constant 0 : i32
      %dma_start3A_243 = tpu.memref_slice %arg5[%rem3A_215, %dma_start3A_241, %dma_start3A_242] : memref<8x2x128xi32, #tpu.memory_space<vmem>> -> memref<1x1x128xi32, #tpu.memory_space<vmem>>
      %dma_start3A_244 = tpu.memref_squeeze %dma_start3A_243 : memref<1x1x128xi32, #tpu.memory_space<vmem>> -> memref<128xi32, #tpu.memory_space<vmem>>
      %dma_start3A_245 = arith.constant 0 : i32
      %dma_start3A_246 = tpu.memref_slice %arg12[%dma_start3A_245] : memref<10240xf32, #tpu.memory_space<vmem_shared>> -> memref<10240xf32, #tpu.memory_space<vmem_shared>>
      %dma_start3A_247 = tpu.memref_slice %arg10[%rem3A_215] : memref<8x!tpu.dma_semaphore, #tpu.memory_space<semaphore_mem>> -> memref<1x!tpu.dma_semaphore, #tpu.memory_space<semaphore_mem>>
      %dma_start3A_248 = tpu.memref_squeeze %dma_start3A_247 : memref<1x!tpu.dma_semaphore, #tpu.memory_space<semaphore_mem>> -> memref<!tpu.dma_semaphore, #tpu.memory_space<semaphore_mem>>
      tpu.enqueue_indirect_dma source(%arg6 : memref<128xf32, #tpu.memory_space<vmem>>) target(%dma_start3A_246 : memref<10240xf32, #tpu.memory_space<vmem_shared>>) offsets(%dma_start3A_244 : memref<128xi32, #tpu.memory_space<vmem>>) semaphore(%dma_start3A_248 : memref<!tpu.dma_semaphore, #tpu.memory_space<semaphore_mem>>) {add = true}
      %scan3A_249 = arith.constant 0 : i32
      scf.yield %scan3A_249 : i32
    }
    %scan3A_99 = arith.constant 78 : i32
    %dma_wait3A = arith.constant 2 : i32
    %dma_wait3A_100 = arith.constant 0 : i32
    %dma_wait3A_101 = arith.constant 2 : i32
    %dma_wait3A_102 = arith.constant 0 : i32
    %dma_wait3A_103 = tpu.memref_slice %arg5[%dma_wait3A, %dma_wait3A_100, %dma_wait3A_102] : memref<8x2x128xi32, #tpu.memory_space<vmem>> -> memref<1x1x128xi32, #tpu.memory_space<vmem>>
    %dma_wait3A_104 = tpu.memref_squeeze %dma_wait3A_103 : memref<1x1x128xi32, #tpu.memory_space<vmem>> -> memref<128xi32, #tpu.memory_space<vmem>>
    %dma_wait3A_105 = arith.constant 0 : i32
    %dma_wait3A_106 = tpu.memref_slice %arg11[%dma_wait3A_105] : memref<10240xf32, #tpu.memory_space<vmem_shared>> -> memref<10240xf32, #tpu.memory_space<vmem_shared>>
    %dma_wait3A_107 = tpu.memref_slice %arg9[%dma_wait3A_101] : memref<8x!tpu.dma_semaphore, #tpu.memory_space<semaphore_mem>> -> memref<1x!tpu.dma_semaphore, #tpu.memory_space<semaphore_mem>>
    %dma_wait3A_108 = tpu.memref_squeeze %dma_wait3A_107 : memref<1x!tpu.dma_semaphore, #tpu.memory_space<semaphore_mem>> -> memref<!tpu.dma_semaphore, #tpu.memory_space<semaphore_mem>>
    tpu.wait_indirect_dma semaphore(%dma_wait3A_108 : memref<!tpu.dma_semaphore, #tpu.memory_space<semaphore_mem>>) src(%arg6 : memref<128xf32, #tpu.memory_space<vmem>>) dst(%dma_wait3A_106 : memref<10240xf32, #tpu.memory_space<vmem_shared>>)
    %dma_wait3A_109 = arith.constant 2 : i32
    %dma_wait3A_110 = arith.constant 1 : i32
    %dma_wait3A_111 = arith.constant 2 : i32
    %dma_wait3A_112 = arith.constant 0 : i32
    %dma_wait3A_113 = tpu.memref_slice %arg5[%dma_wait3A_109, %dma_wait3A_110, %dma_wait3A_112] : memref<8x2x128xi32, #tpu.memory_space<vmem>> -> memref<1x1x128xi32, #tpu.memory_space<vmem>>
    %dma_wait3A_114 = tpu.memref_squeeze %dma_wait3A_113 : memref<1x1x128xi32, #tpu.memory_space<vmem>> -> memref<128xi32, #tpu.memory_space<vmem>>
    %dma_wait3A_115 = arith.constant 0 : i32
    %dma_wait3A_116 = tpu.memref_slice %arg12[%dma_wait3A_115] : memref<10240xf32, #tpu.memory_space<vmem_shared>> -> memref<10240xf32, #tpu.memory_space<vmem_shared>>
    %dma_wait3A_117 = tpu.memref_slice %arg10[%dma_wait3A_111] : memref<8x!tpu.dma_semaphore, #tpu.memory_space<semaphore_mem>> -> memref<1x!tpu.dma_semaphore, #tpu.memory_space<semaphore_mem>>
    %dma_wait3A_118 = tpu.memref_squeeze %dma_wait3A_117 : memref<1x!tpu.dma_semaphore, #tpu.memory_space<semaphore_mem>> -> memref<!tpu.dma_semaphore, #tpu.memory_space<semaphore_mem>>
    tpu.wait_indirect_dma semaphore(%dma_wait3A_118 : memref<!tpu.dma_semaphore, #tpu.memory_space<semaphore_mem>>) src(%arg6 : memref<128xf32, #tpu.memory_space<vmem>>) dst(%dma_wait3A_116 : memref<10240xf32, #tpu.memory_space<vmem_shared>>)
    %dma_wait3A_119 = arith.constant 3 : i32
    %dma_wait3A_120 = arith.constant 0 : i32
    %dma_wait3A_121 = arith.constant 3 : i32
    %dma_wait3A_122 = arith.constant 0 : i32
    %dma_wait3A_123 = tpu.memref_slice %arg5[%dma_wait3A_119, %dma_wait3A_120, %dma_wait3A_122] : memref<8x2x128xi32, #tpu.memory_space<vmem>> -> memref<1x1x128xi32, #tpu.memory_space<vmem>>
    %dma_wait3A_124 = tpu.memref_squeeze %dma_wait3A_123 : memref<1x1x128xi32, #tpu.memory_space<vmem>> -> memref<128xi32, #tpu.memory_space<vmem>>
    %dma_wait3A_125 = arith.constant 0 : i32
    %dma_wait3A_126 = tpu.memref_slice %arg11[%dma_wait3A_125] : memref<10240xf32, #tpu.memory_space<vmem_shared>> -> memref<10240xf32, #tpu.memory_space<vmem_shared>>
    %dma_wait3A_127 = tpu.memref_slice %arg9[%dma_wait3A_121] : memref<8x!tpu.dma_semaphore, #tpu.memory_space<semaphore_mem>> -> memref<1x!tpu.dma_semaphore, #tpu.memory_space<semaphore_mem>>
    %dma_wait3A_128 = tpu.memref_squeeze %dma_wait3A_127 : memref<1x!tpu.dma_semaphore, #tpu.memory_space<semaphore_mem>> -> memref<!tpu.dma_semaphore, #tpu.memory_space<semaphore_mem>>
    tpu.wait_indirect_dma semaphore(%dma_wait3A_128 : memref<!tpu.dma_semaphore, #tpu.memory_space<semaphore_mem>>) src(%arg6 : memref<128xf32, #tpu.memory_space<vmem>>) dst(%dma_wait3A_126 : memref<10240xf32, #tpu.memory_space<vmem_shared>>)
    %dma_wait3A_129 = arith.constant 3 : i32
    %dma_wait3A_130 = arith.constant 1 : i32
    %dma_wait3A_131 = arith.constant 3 : i32
    %dma_wait3A_132 = arith.constant 0 : i32
    %dma_wait3A_133 = tpu.memref_slice %arg5[%dma_wait3A_129, %dma_wait3A_130, %dma_wait3A_132] : memref<8x2x128xi32, #tpu.memory_space<vmem>> -> memref<1x1x128xi32, #tpu.memory_space<vmem>>
    %dma_wait3A_134 = tpu.memref_squeeze %dma_wait3A_133 : memref<1x1x128xi32, #tpu.memory_space<vmem>> -> memref<128xi32, #tpu.memory_space<vmem>>
    %dma_wait3A_135 = arith.constant 0 : i32
    %dma_wait3A_136 = tpu.memref_slice %arg12[%dma_wait3A_135] : memref<10240xf32, #tpu.memory_space<vmem_shared>> -> memref<10240xf32, #tpu.memory_space<vmem_shared>>
    %dma_wait3A_137 = tpu.memref_slice %arg10[%dma_wait3A_131] : memref<8x!tpu.dma_semaphore, #tpu.memory_space<semaphore_mem>> -> memref<1x!tpu.dma_semaphore, #tpu.memory_space<semaphore_mem>>
    %dma_wait3A_138 = tpu.memref_squeeze %dma_wait3A_137 : memref<1x!tpu.dma_semaphore, #tpu.memory_space<semaphore_mem>> -> memref<!tpu.dma_semaphore, #tpu.memory_space<semaphore_mem>>
    tpu.wait_indirect_dma semaphore(%dma_wait3A_138 : memref<!tpu.dma_semaphore, #tpu.memory_space<semaphore_mem>>) src(%arg6 : memref<128xf32, #tpu.memory_space<vmem>>) dst(%dma_wait3A_136 : memref<10240xf32, #tpu.memory_space<vmem_shared>>)
    %dma_wait3A_139 = arith.constant 4 : i32
    %dma_wait3A_140 = arith.constant 0 : i32
    %dma_wait3A_141 = arith.constant 4 : i32
    %dma_wait3A_142 = arith.constant 0 : i32
    %dma_wait3A_143 = tpu.memref_slice %arg5[%dma_wait3A_139, %dma_wait3A_140, %dma_wait3A_142] : memref<8x2x128xi32, #tpu.memory_space<vmem>> -> memref<1x1x128xi32, #tpu.memory_space<vmem>>
    %dma_wait3A_144 = tpu.memref_squeeze %dma_wait3A_143 : memref<1x1x128xi32, #tpu.memory_space<vmem>> -> memref<128xi32, #tpu.memory_space<vmem>>
    %dma_wait3A_145 = arith.constant 0 : i32
    %dma_wait3A_146 = tpu.memref_slice %arg11[%dma_wait3A_145] : memref<10240xf32, #tpu.memory_space<vmem_shared>> -> memref<10240xf32, #tpu.memory_space<vmem_shared>>
    %dma_wait3A_147 = tpu.memref_slice %arg9[%dma_wait3A_141] : memref<8x!tpu.dma_semaphore, #tpu.memory_space<semaphore_mem>> -> memref<1x!tpu.dma_semaphore, #tpu.memory_space<semaphore_mem>>
    %dma_wait3A_148 = tpu.memref_squeeze %dma_wait3A_147 : memref<1x!tpu.dma_semaphore, #tpu.memory_space<semaphore_mem>> -> memref<!tpu.dma_semaphore, #tpu.memory_space<semaphore_mem>>
    tpu.wait_indirect_dma semaphore(%dma_wait3A_148 : memref<!tpu.dma_semaphore, #tpu.memory_space<semaphore_mem>>) src(%arg6 : memref<128xf32, #tpu.memory_space<vmem>>) dst(%dma_wait3A_146 : memref<10240xf32, #tpu.memory_space<vmem_shared>>)
    %dma_wait3A_149 = arith.constant 4 : i32
    %dma_wait3A_150 = arith.constant 1 : i32
    %dma_wait3A_151 = arith.constant 4 : i32
    %dma_wait3A_152 = arith.constant 0 : i32
    %dma_wait3A_153 = tpu.memref_slice %arg5[%dma_wait3A_149, %dma_wait3A_150, %dma_wait3A_152] : memref<8x2x128xi32, #tpu.memory_space<vmem>> -> memref<1x1x128xi32, #tpu.memory_space<vmem>>
    %dma_wait3A_154 = tpu.memref_squeeze %dma_wait3A_153 : memref<1x1x128xi32, #tpu.memory_space<vmem>> -> memref<128xi32, #tpu.memory_space<vmem>>
    %dma_wait3A_155 = arith.constant 0 : i32
    %dma_wait3A_156 = tpu.memref_slice %arg12[%dma_wait3A_155] : memref<10240xf32, #tpu.memory_space<vmem_shared>> -> memref<10240xf32, #tpu.memory_space<vmem_shared>>
    %dma_wait3A_157 = tpu.memref_slice %arg10[%dma_wait3A_151] : memref<8x!tpu.dma_semaphore, #tpu.memory_space<semaphore_mem>> -> memref<1x!tpu.dma_semaphore, #tpu.memory_space<semaphore_mem>>
    %dma_wait3A_158 = tpu.memref_squeeze %dma_wait3A_157 : memref<1x!tpu.dma_semaphore, #tpu.memory_space<semaphore_mem>> -> memref<!tpu.dma_semaphore, #tpu.memory_space<semaphore_mem>>
    tpu.wait_indirect_dma semaphore(%dma_wait3A_158 : memref<!tpu.dma_semaphore, #tpu.memory_space<semaphore_mem>>) src(%arg6 : memref<128xf32, #tpu.memory_space<vmem>>) dst(%dma_wait3A_156 : memref<10240xf32, #tpu.memory_space<vmem_shared>>)
    %dma_wait3A_159 = arith.constant 5 : i32
    %dma_wait3A_160 = arith.constant 0 : i32
    %dma_wait3A_161 = arith.constant 5 : i32
    %dma_wait3A_162 = arith.constant 0 : i32
    %dma_wait3A_163 = tpu.memref_slice %arg5[%dma_wait3A_159, %dma_wait3A_160, %dma_wait3A_162] : memref<8x2x128xi32, #tpu.memory_space<vmem>> -> memref<1x1x128xi32, #tpu.memory_space<vmem>>
    %dma_wait3A_164 = tpu.memref_squeeze %dma_wait3A_163 : memref<1x1x128xi32, #tpu.memory_space<vmem>> -> memref<128xi32, #tpu.memory_space<vmem>>
    %dma_wait3A_165 = arith.constant 0 : i32
    %dma_wait3A_166 = tpu.memref_slice %arg11[%dma_wait3A_165] : memref<10240xf32, #tpu.memory_space<vmem_shared>> -> memref<10240xf32, #tpu.memory_space<vmem_shared>>
    %dma_wait3A_167 = tpu.memref_slice %arg9[%dma_wait3A_161] : memref<8x!tpu.dma_semaphore, #tpu.memory_space<semaphore_mem>> -> memref<1x!tpu.dma_semaphore, #tpu.memory_space<semaphore_mem>>
    %dma_wait3A_168 = tpu.memref_squeeze %dma_wait3A_167 : memref<1x!tpu.dma_semaphore, #tpu.memory_space<semaphore_mem>> -> memref<!tpu.dma_semaphore, #tpu.memory_space<semaphore_mem>>
    tpu.wait_indirect_dma semaphore(%dma_wait3A_168 : memref<!tpu.dma_semaphore, #tpu.memory_space<semaphore_mem>>) src(%arg6 : memref<128xf32, #tpu.memory_space<vmem>>) dst(%dma_wait3A_166 : memref<10240xf32, #tpu.memory_space<vmem_shared>>)
    %dma_wait3A_169 = arith.constant 5 : i32
    %dma_wait3A_170 = arith.constant 1 : i32
    %dma_wait3A_171 = arith.constant 5 : i32
    %dma_wait3A_172 = arith.constant 0 : i32
    %dma_wait3A_173 = tpu.memref_slice %arg5[%dma_wait3A_169, %dma_wait3A_170, %dma_wait3A_172] : memref<8x2x128xi32, #tpu.memory_space<vmem>> -> memref<1x1x128xi32, #tpu.memory_space<vmem>>
    %dma_wait3A_174 = tpu.memref_squeeze %dma_wait3A_173 : memref<1x1x128xi32, #tpu.memory_space<vmem>> -> memref<128xi32, #tpu.memory_space<vmem>>
    %dma_wait3A_175 = arith.constant 0 : i32
    %dma_wait3A_176 = tpu.memref_slice %arg12[%dma_wait3A_175] : memref<10240xf32, #tpu.memory_space<vmem_shared>> -> memref<10240xf32, #tpu.memory_space<vmem_shared>>
    %dma_wait3A_177 = tpu.memref_slice %arg10[%dma_wait3A_171] : memref<8x!tpu.dma_semaphore, #tpu.memory_space<semaphore_mem>> -> memref<1x!tpu.dma_semaphore, #tpu.memory_space<semaphore_mem>>
    %dma_wait3A_178 = tpu.memref_squeeze %dma_wait3A_177 : memref<1x!tpu.dma_semaphore, #tpu.memory_space<semaphore_mem>> -> memref<!tpu.dma_semaphore, #tpu.memory_space<semaphore_mem>>
    tpu.wait_indirect_dma semaphore(%dma_wait3A_178 : memref<!tpu.dma_semaphore, #tpu.memory_space<semaphore_mem>>) src(%arg6 : memref<128xf32, #tpu.memory_space<vmem>>) dst(%dma_wait3A_176 : memref<10240xf32, #tpu.memory_space<vmem_shared>>)
    %lt3A = arith.constant 4 : i32
    %lt3A_179 = arith.cmpi slt, %add3A, %lt3A : i32
    %convert_element_type3A = arith.extui %lt3A_179 : i1 to i32
    %cond3A = arith.constant 0 : i32
    %cond3A_180 = arith.cmpi ne, %convert_element_type3A, %cond3A : i32
    scf.if %cond3A_180 {
      %add3A_196 = arith.constant 2496 : i32
      %add3A_197 = arith.addi %add3A_196, %add3A : i32
      %mul3A_198 = arith.constant 128 : i32
      %mul3A_199 = arith.muli %add3A_197, %mul3A_198 : i32
      %run_scoped3A = arith.constant 0 : i32
      "tpu.region"() ({
        %run_scoped3A_204 = tpu.sem_alloc : memref<!tpu.dma_semaphore, #tpu.memory_space<semaphore_mem>>
        %dma_start3A_205 = arith.constant 0 : i32
        %dma_start3A_206 = arith.constant 0 : i32
        %dma_start3A_207 = tpu.memref_slice %arg5[%run_scoped3A, %dma_start3A_205, %dma_start3A_206] : memref<8x2x128xi32, #tpu.memory_space<vmem>> -> memref<1x2x128xi32, #tpu.memory_space<vmem>>
        %dma_start3A_208 = tpu.memref_squeeze %dma_start3A_207 : memref<1x2x128xi32, #tpu.memory_space<vmem>> -> memref<2x128xi32, #tpu.memory_space<vmem>>
        %dma_start3A_209 = arith.constant 0 : i32
        %dma_start3A_210 = tpu.memref_slice %arg2[%dma_start3A_209, %mul3A_199] : memref<2x320000xi32, #tpu.memory_space<hbm>> -> memref<2x128xi32, #tpu.memory_space<hbm>>
        %dma_start3A_211 = arith.constant 0 : i32
        %dma_start3A_212 = arith.constant 0 : i32
        %dma_start3A_213 = tpu.memref_slice %arg5[%run_scoped3A, %dma_start3A_211, %dma_start3A_212] : memref<8x2x128xi32, #tpu.memory_space<vmem>> -> memref<1x2x128xi32, #tpu.memory_space<vmem>>
        %dma_start3A_214 = tpu.memref_squeeze %dma_start3A_213 : memref<1x2x128xi32, #tpu.memory_space<vmem>> -> memref<2x128xi32, #tpu.memory_space<vmem>>
        %dma_start3A_215 = arith.constant 0 : i32
        %dma_start3A_216 = tpu.memref_slice %arg2[%dma_start3A_215, %mul3A_199] : memref<2x320000xi32, #tpu.memory_space<hbm>> -> memref<2x128xi32, #tpu.memory_space<hbm>>
        tpu.enqueue_dma source(%dma_start3A_216 : memref<2x128xi32, #tpu.memory_space<hbm>>) target(%dma_start3A_214 : memref<2x128xi32, #tpu.memory_space<vmem>>) target_semaphore(%run_scoped3A_204 : memref<!tpu.dma_semaphore, #tpu.memory_space<semaphore_mem>>)
        %dma_wait3A_217 = arith.constant 0 : i32
        %dma_wait3A_218 = arith.constant 0 : i32
        %dma_wait3A_219 = tpu.memref_slice %arg5[%run_scoped3A, %dma_wait3A_217, %dma_wait3A_218] : memref<8x2x128xi32, #tpu.memory_space<vmem>> -> memref<1x2x128xi32, #tpu.memory_space<vmem>>
        %dma_wait3A_220 = tpu.memref_squeeze %dma_wait3A_219 : memref<1x2x128xi32, #tpu.memory_space<vmem>> -> memref<2x128xi32, #tpu.memory_space<vmem>>
        %dma_wait3A_221 = arith.constant 0 : i32
        %dma_wait3A_222 = tpu.memref_slice %arg2[%dma_wait3A_221, %mul3A_199] : memref<2x320000xi32, #tpu.memory_space<hbm>> -> memref<2x128xi32, #tpu.memory_space<hbm>>
        %dma_wait3A_223 = arith.constant 0 : i32
        %dma_wait3A_224 = arith.constant 0 : i32
        %dma_wait3A_225 = tpu.memref_slice %arg5[%run_scoped3A, %dma_wait3A_223, %dma_wait3A_224] : memref<8x2x128xi32, #tpu.memory_space<vmem>> -> memref<1x2x128xi32, #tpu.memory_space<vmem>>
        %dma_wait3A_226 = tpu.memref_squeeze %dma_wait3A_225 : memref<1x2x128xi32, #tpu.memory_space<vmem>> -> memref<2x128xi32, #tpu.memory_space<vmem>>
        %dma_wait3A_227 = arith.constant 0 : i32
        %dma_wait3A_228 = tpu.memref_slice %arg2[%dma_wait3A_227, %mul3A_199] : memref<2x320000xi32, #tpu.memory_space<hbm>> -> memref<2x128xi32, #tpu.memory_space<hbm>>
        tpu.wait_dma2 semaphore(%run_scoped3A_204 : memref<!tpu.dma_semaphore, #tpu.memory_space<semaphore_mem>>) src(%dma_wait3A_228 : memref<2x128xi32, #tpu.memory_space<hbm>>) dst(%dma_wait3A_226 : memref<2x128xi32, #tpu.memory_space<vmem>>)
        tpu.yield
      }) : () -> ()
      %run_scoped3A_200 = arith.constant 0 : i32
      %run_scoped3A_201 = arith.constant 0 : i32
      "tpu.region"() ({
        %run_scoped3A_204 = tpu.sem_alloc : memref<!tpu.dma_semaphore, #tpu.memory_space<semaphore_mem>>
        %dma_start3A_205 = arith.constant 0 : i32
        %dma_start3A_206 = tpu.memref_slice %arg5[%run_scoped3A_200, %run_scoped3A_201, %dma_start3A_205] : memref<8x2x128xi32, #tpu.memory_space<vmem>> -> memref<1x1x128xi32, #tpu.memory_space<vmem>>
        %dma_start3A_207 = tpu.memref_squeeze %dma_start3A_206 : memref<1x1x128xi32, #tpu.memory_space<vmem>> -> memref<128xi32, #tpu.memory_space<vmem>>
        %dma_start3A_208 = arith.constant 0 : i32
        %dma_start3A_209 = tpu.memref_slice %arg11[%dma_start3A_208] : memref<10240xf32, #tpu.memory_space<vmem_shared>> -> memref<10240xf32, #tpu.memory_space<vmem_shared>>
        tpu.enqueue_indirect_dma source(%arg6 : memref<128xf32, #tpu.memory_space<vmem>>) target(%dma_start3A_209 : memref<10240xf32, #tpu.memory_space<vmem_shared>>) offsets(%dma_start3A_207 : memref<128xi32, #tpu.memory_space<vmem>>) semaphore(%run_scoped3A_204 : memref<!tpu.dma_semaphore, #tpu.memory_space<semaphore_mem>>) {add = true}
        %dma_wait3A_210 = arith.constant 0 : i32
        %dma_wait3A_211 = tpu.memref_slice %arg5[%run_scoped3A_200, %run_scoped3A_201, %dma_wait3A_210] : memref<8x2x128xi32, #tpu.memory_space<vmem>> -> memref<1x1x128xi32, #tpu.memory_space<vmem>>
        %dma_wait3A_212 = tpu.memref_squeeze %dma_wait3A_211 : memref<1x1x128xi32, #tpu.memory_space<vmem>> -> memref<128xi32, #tpu.memory_space<vmem>>
        %dma_wait3A_213 = arith.constant 0 : i32
        %dma_wait3A_214 = tpu.memref_slice %arg11[%dma_wait3A_213] : memref<10240xf32, #tpu.memory_space<vmem_shared>> -> memref<10240xf32, #tpu.memory_space<vmem_shared>>
        tpu.wait_indirect_dma semaphore(%run_scoped3A_204 : memref<!tpu.dma_semaphore, #tpu.memory_space<semaphore_mem>>) src(%arg6 : memref<128xf32, #tpu.memory_space<vmem>>) dst(%dma_wait3A_214 : memref<10240xf32, #tpu.memory_space<vmem_shared>>)
        tpu.yield
      }) : () -> ()
      %run_scoped3A_202 = arith.constant 0 : i32
      %run_scoped3A_203 = arith.constant 1 : i32
      "tpu.region"() ({
        %run_scoped3A_204 = tpu.sem_alloc : memref<!tpu.dma_semaphore, #tpu.memory_space<semaphore_mem>>
        %dma_start3A_205 = arith.constant 0 : i32
        %dma_start3A_206 = tpu.memref_slice %arg5[%run_scoped3A_202, %run_scoped3A_203, %dma_start3A_205] : memref<8x2x128xi32, #tpu.memory_space<vmem>> -> memref<1x1x128xi32, #tpu.memory_space<vmem>>
        %dma_start3A_207 = tpu.memref_squeeze %dma_start3A_206 : memref<1x1x128xi32, #tpu.memory_space<vmem>> -> memref<128xi32, #tpu.memory_space<vmem>>
        %dma_start3A_208 = arith.constant 0 : i32
        %dma_start3A_209 = tpu.memref_slice %arg12[%dma_start3A_208] : memref<10240xf32, #tpu.memory_space<vmem_shared>> -> memref<10240xf32, #tpu.memory_space<vmem_shared>>
        tpu.enqueue_indirect_dma source(%arg6 : memref<128xf32, #tpu.memory_space<vmem>>) target(%dma_start3A_209 : memref<10240xf32, #tpu.memory_space<vmem_shared>>) offsets(%dma_start3A_207 : memref<128xi32, #tpu.memory_space<vmem>>) semaphore(%run_scoped3A_204 : memref<!tpu.dma_semaphore, #tpu.memory_space<semaphore_mem>>) {add = true}
        %dma_wait3A_210 = arith.constant 0 : i32
        %dma_wait3A_211 = tpu.memref_slice %arg5[%run_scoped3A_202, %run_scoped3A_203, %dma_wait3A_210] : memref<8x2x128xi32, #tpu.memory_space<vmem>> -> memref<1x1x128xi32, #tpu.memory_space<vmem>>
        %dma_wait3A_212 = tpu.memref_squeeze %dma_wait3A_211 : memref<1x1x128xi32, #tpu.memory_space<vmem>> -> memref<128xi32, #tpu.memory_space<vmem>>
        %dma_wait3A_213 = arith.constant 0 : i32
        %dma_wait3A_214 = tpu.memref_slice %arg12[%dma_wait3A_213] : memref<10240xf32, #tpu.memory_space<vmem_shared>> -> memref<10240xf32, #tpu.memory_space<vmem_shared>>
        tpu.wait_indirect_dma semaphore(%run_scoped3A_204 : memref<!tpu.dma_semaphore, #tpu.memory_space<semaphore_mem>>) src(%arg6 : memref<128xf32, #tpu.memory_space<vmem>>) dst(%dma_wait3A_214 : memref<10240xf32, #tpu.memory_space<vmem_shared>>)
        tpu.yield
      }) : () -> ()
    } else {
    }
    %barrier3A_181 = arith.constant 0 : index
    tpu.barrier barrier_id(%barrier3A_181)
    %mul3A_182 = arith.constant 640 : i32
    %mul3A_183 = arith.muli %arg1, %mul3A_182 : i32
    "tpu.region"() ({
      %run_scoped3A = tpu.sem_alloc : memref<!tpu.dma_semaphore, #tpu.memory_space<semaphore_mem>>
      %dma_start3A_196 = tpu.memref_slice %arg11[%mul3A_183] : memref<10240xf32, #tpu.memory_space<vmem_shared>> -> memref<640xf32, #tpu.memory_space<vmem_shared>>
      %dma_start3A_197 = tpu.memref_slice %arg11[%mul3A_183] : memref<10240xf32, #tpu.memory_space<vmem_shared>> -> memref<640xf32, #tpu.memory_space<vmem_shared>>
      tpu.enqueue_dma source(%dma_start3A_197 : memref<640xf32, #tpu.memory_space<vmem_shared>>) target(%arg7 : memref<640xf32, #tpu.memory_space<vmem>>) target_semaphore(%run_scoped3A : memref<!tpu.dma_semaphore, #tpu.memory_space<semaphore_mem>>)
      %dma_wait3A_198 = tpu.memref_slice %arg11[%mul3A_183] : memref<10240xf32, #tpu.memory_space<vmem_shared>> -> memref<640xf32, #tpu.memory_space<vmem_shared>>
      %dma_wait3A_199 = tpu.memref_slice %arg11[%mul3A_183] : memref<10240xf32, #tpu.memory_space<vmem_shared>> -> memref<640xf32, #tpu.memory_space<vmem_shared>>
      tpu.wait_dma2 semaphore(%run_scoped3A : memref<!tpu.dma_semaphore, #tpu.memory_space<semaphore_mem>>) src(%dma_wait3A_199 : memref<640xf32, #tpu.memory_space<vmem_shared>>) dst(%arg7 : memref<640xf32, #tpu.memory_space<vmem>>)
      tpu.yield
    }) : () -> ()
    %mul3A_184 = arith.constant 10240 : i32
    %mul3A_185 = arith.muli %arg0, %mul3A_184 : i32
    %mul3A_186 = arith.constant 640 : i32
    %mul3A_187 = arith.muli %arg1, %mul3A_186 : i32
    %add3A_188 = arith.addi %mul3A_185, %mul3A_187 : i32
    "tpu.region"() ({
      %run_scoped3A = tpu.sem_alloc : memref<!tpu.dma_semaphore, #tpu.memory_space<semaphore_mem>>
      %dma_start3A_196 = tpu.memref_slice %arg3[%add3A_188] : memref<20480xf32, #tpu.memory_space<hbm>> -> memref<640xf32, #tpu.memory_space<hbm>>
      %dma_start3A_197 = tpu.memref_slice %arg3[%add3A_188] : memref<20480xf32, #tpu.memory_space<hbm>> -> memref<640xf32, #tpu.memory_space<hbm>>
      tpu.enqueue_dma source(%arg7 : memref<640xf32, #tpu.memory_space<vmem>>) target(%dma_start3A_197 : memref<640xf32, #tpu.memory_space<hbm>>) target_semaphore(%run_scoped3A : memref<!tpu.dma_semaphore, #tpu.memory_space<semaphore_mem>>)
      %dma_wait3A_198 = tpu.memref_slice %arg3[%add3A_188] : memref<20480xf32, #tpu.memory_space<hbm>> -> memref<640xf32, #tpu.memory_space<hbm>>
      %dma_wait3A_199 = tpu.memref_slice %arg3[%add3A_188] : memref<20480xf32, #tpu.memory_space<hbm>> -> memref<640xf32, #tpu.memory_space<hbm>>
      tpu.wait_dma2 semaphore(%run_scoped3A : memref<!tpu.dma_semaphore, #tpu.memory_space<semaphore_mem>>) src(%arg7 : memref<640xf32, #tpu.memory_space<vmem>>) dst(%dma_wait3A_199 : memref<640xf32, #tpu.memory_space<hbm>>)
      tpu.yield
    }) : () -> ()
    %mul3A_189 = arith.constant 640 : i32
    %mul3A_190 = arith.muli %arg1, %mul3A_189 : i32
    "tpu.region"() ({
      %run_scoped3A = tpu.sem_alloc : memref<!tpu.dma_semaphore, #tpu.memory_space<semaphore_mem>>
      %dma_start3A_196 = tpu.memref_slice %arg12[%mul3A_190] : memref<10240xf32, #tpu.memory_space<vmem_shared>> -> memref<640xf32, #tpu.memory_space<vmem_shared>>
      %dma_start3A_197 = tpu.memref_slice %arg12[%mul3A_190] : memref<10240xf32, #tpu.memory_space<vmem_shared>> -> memref<640xf32, #tpu.memory_space<vmem_shared>>
      tpu.enqueue_dma source(%dma_start3A_197 : memref<640xf32, #tpu.memory_space<vmem_shared>>) target(%arg7 : memref<640xf32, #tpu.memory_space<vmem>>) target_semaphore(%run_scoped3A : memref<!tpu.dma_semaphore, #tpu.memory_space<semaphore_mem>>)
      %dma_wait3A_198 = tpu.memref_slice %arg12[%mul3A_190] : memref<10240xf32, #tpu.memory_space<vmem_shared>> -> memref<640xf32, #tpu.memory_space<vmem_shared>>
      %dma_wait3A_199 = tpu.memref_slice %arg12[%mul3A_190] : memref<10240xf32, #tpu.memory_space<vmem_shared>> -> memref<640xf32, #tpu.memory_space<vmem_shared>>
      tpu.wait_dma2 semaphore(%run_scoped3A : memref<!tpu.dma_semaphore, #tpu.memory_space<semaphore_mem>>) src(%dma_wait3A_199 : memref<640xf32, #tpu.memory_space<vmem_shared>>) dst(%arg7 : memref<640xf32, #tpu.memory_space<vmem>>)
      tpu.yield
    }) : () -> ()
    %mul3A_191 = arith.constant 10240 : i32
    %mul3A_192 = arith.muli %arg0, %mul3A_191 : i32
    %mul3A_193 = arith.constant 640 : i32
    %mul3A_194 = arith.muli %arg1, %mul3A_193 : i32
    %add3A_195 = arith.addi %mul3A_192, %mul3A_194 : i32
    "tpu.region"() ({
      %run_scoped3A = tpu.sem_alloc : memref<!tpu.dma_semaphore, #tpu.memory_space<semaphore_mem>>
      %dma_start3A_196 = tpu.memref_slice %arg4[%add3A_195] : memref<20480xf32, #tpu.memory_space<hbm>> -> memref<640xf32, #tpu.memory_space<hbm>>
      %dma_start3A_197 = tpu.memref_slice %arg4[%add3A_195] : memref<20480xf32, #tpu.memory_space<hbm>> -> memref<640xf32, #tpu.memory_space<hbm>>
      tpu.enqueue_dma source(%arg7 : memref<640xf32, #tpu.memory_space<vmem>>) target(%dma_start3A_197 : memref<640xf32, #tpu.memory_space<hbm>>) target_semaphore(%run_scoped3A : memref<!tpu.dma_semaphore, #tpu.memory_space<semaphore_mem>>)
      %dma_wait3A_198 = tpu.memref_slice %arg4[%add3A_195] : memref<20480xf32, #tpu.memory_space<hbm>> -> memref<640xf32, #tpu.memory_space<hbm>>
      %dma_wait3A_199 = tpu.memref_slice %arg4[%add3A_195] : memref<20480xf32, #tpu.memory_space<hbm>> -> memref<640xf32, #tpu.memory_space<hbm>>
      tpu.wait_dma2 semaphore(%run_scoped3A : memref<!tpu.dma_semaphore, #tpu.memory_space<semaphore_mem>>) src(%arg7 : memref<640xf32, #tpu.memory_space<vmem>>) dst(%dma_wait3A_199 : memref<640xf32, #tpu.memory_space<hbm>>)
      tpu.yield
    }) : () -> ()
    return
  }
}

module attributes {stable_mosaic.version = 14 : i64} {
  func.func @body(%arg0: i32, %arg1: memref<2x2048x128xf32, #tpu.memory_space<vmem>>, %arg2: memref<2048xf32, #tpu.memory_space<vmem>>, %arg3: memref<2048xf32, #tpu.memory_space<vmem>>, %arg4: memref<2048xf32, #tpu.memory_space<vmem>>, %arg5: memref<2048xf32, #tpu.memory_space<vmem>>, %arg6: memref<1x128xf32, #tpu.memory_space<vmem>>, %arg7: memref<128x16xf32, #tpu.memory_space<vmem>>, %arg8: memref<1x16xf32, #tpu.memory_space<vmem>>, %arg9: memref<1x16xf32, #tpu.memory_space<vmem>>, %arg10: memref<1x128xf32, #tpu.memory_space<vmem>>) attributes {dimension_semantics = [#tpu.dimension_semantics<arbitrary>], iteration_bounds = array<i64: 5>, scalar_prefetch = 0 : i64, scratch_operands = 1 : i64, tpu.core_type = #tpu.core_type<tc>, window_params = [{transform_indices = @transform_0, window_bounds = array<i64: 2, 2048, 128>}, {transform_indices = @transform_1, window_bounds = array<i64: 2048>}, {transform_indices = @transform_2, window_bounds = array<i64: 2048>}, {transform_indices = @transform_3, window_bounds = array<i64: 2048>}, {transform_indices = @transform_4, window_bounds = array<i64: 2048>}, {pipeline_mode = #tpu.pipeline_mode<synchronous>, transform_indices = @transform_5, window_bounds = array<i64: 1, 128>}, {pipeline_mode = #tpu.pipeline_mode<synchronous>, transform_indices = @transform_6, window_bounds = array<i64: 128, 16>}, {pipeline_mode = #tpu.pipeline_mode<synchronous>, transform_indices = @transform_7, window_bounds = array<i64: 1, 16>}, {pipeline_mode = #tpu.pipeline_mode<synchronous>, transform_indices = @transform_8, window_bounds = array<i64: 1, 16>}]} {
    %eq3A = arith.constant 0 : i32
    %eq3A_0 = arith.cmpi eq, %arg0, %eq3A : i32
    %convert_element_type3A = arith.extui %eq3A_0 : i1 to i32
    %cond3A = arith.constant 0 : i32
    %cond3A_1 = arith.cmpi ne, %convert_element_type3A, %cond3A : i32
    scf.if %cond3A_1 {
      %broadcast_in_dim3A_45 = arith.constant 0.000000e+00 : f32
      %broadcast_in_dim3A_46 = vector.broadcast %broadcast_in_dim3A_45 : f32 to vector<1x128xf32>
      %swap3A_47 = arith.constant 0 : index
      %swap3A_48 = arith.constant 0 : index
      %swap3A_49 = vector.load %arg10[%swap3A_47, %swap3A_48] : memref<1x128xf32, #tpu.memory_space<vmem>>, vector<1x128xf32>
      tpu.vector_store %arg10[%swap3A_47, %swap3A_48], %broadcast_in_dim3A_46 {strides = array<i32>} : memref<1x128xf32, #tpu.memory_space<vmem>>, vector<1x128xf32>,
    } else {
    }
    %get3A = arith.constant 0 : index
    %get3A_2 = arith.constant 0 : index
    %get3A_3 = arith.constant 0 : index
    %get3A_4 = vector.load %arg1[%get3A, %get3A_2, %get3A_3] : memref<2x2048x128xf32, #tpu.memory_space<vmem>>, vector<1x2048x128xf32>
    %get3A_5 = vector.shape_cast %get3A_4 : vector<1x2048x128xf32> to vector<2048x128xf32>
    %get3A_6 = arith.constant 1 : index
    %get3A_7 = arith.constant 0 : index
    %get3A_8 = arith.constant 0 : index
    %get3A_9 = vector.load %arg1[%get3A_6, %get3A_7, %get3A_8] : memref<2x2048x128xf32, #tpu.memory_space<vmem>>, vector<1x2048x128xf32>
    %get3A_10 = vector.shape_cast %get3A_9 : vector<1x2048x128xf32> to vector<2048x128xf32>
    %add3A = arith.addf %get3A_5, %get3A_10 : vector<2048x128xf32>
    %get3A_11 = arith.constant 0 : index
    %get3A_12 = vector.load %arg5[%get3A_11] : memref<2048xf32, #tpu.memory_space<vmem>>, vector<2048xf32>
    %broadcast_in_dim3A = vector.shape_cast %get3A_12 : vector<2048xf32> to vector<2048x1xf32>
    %mul3A = vector.broadcast %broadcast_in_dim3A : vector<2048x1xf32> to vector<2048x128xf32>
    %mul3A_13 = arith.mulf %add3A, %mul3A : vector<2048x128xf32>
    %get3A_14 = arith.constant 0 : index
    %get3A_15 = arith.constant 0 : index
    %get3A_16 = vector.load %arg6[%get3A_14, %get3A_15] : memref<1x128xf32, #tpu.memory_space<vmem>>, vector<1x128xf32>
    %add3A_17 = vector.broadcast %get3A_16 : vector<1x128xf32> to vector<2048x128xf32>
    %add3A_18 = arith.addf %mul3A_13, %add3A_17 : vector<2048x128xf32>
    %max3A = arith.constant 0.000000e+00 : f32
    %max3A_19 = vector.broadcast %max3A : f32 to vector<2048x128xf32>
    %max3A_20 = arith.maximumf %add3A_18, %max3A_19 : vector<2048x128xf32>
    %get3A_21 = arith.constant 0 : index
    %get3A_22 = vector.load %arg2[%get3A_21] : memref<2048xf32, #tpu.memory_space<vmem>>, vector<2048xf32>
    %get3A_23 = arith.constant 0 : index
    %get3A_24 = vector.load %arg3[%get3A_23] : memref<2048xf32, #tpu.memory_space<vmem>>, vector<2048xf32>
    %add3A_25 = arith.addf %get3A_22, %get3A_24 : vector<2048xf32>
    %get3A_26 = arith.constant 0 : index
    %get3A_27 = vector.load %arg4[%get3A_26] : memref<2048xf32, #tpu.memory_space<vmem>>, vector<2048xf32>
    %mul3A_28 = arith.mulf %add3A_25, %get3A_27 : vector<2048xf32>
    %get3A_29 = arith.constant 0 : index
    %get3A_30 = arith.constant 0 : index
    %get3A_31 = vector.load %arg10[%get3A_29, %get3A_30] : memref<1x128xf32, #tpu.memory_space<vmem>>, vector<1x128xf32>
    %broadcast_in_dim3A_32 = vector.shape_cast %mul3A_28 : vector<2048xf32> to vector<2048x1xf32>
    %mul3A_33 = vector.broadcast %broadcast_in_dim3A_32 : vector<2048x1xf32> to vector<2048x128xf32>
    %mul3A_34 = arith.mulf %mul3A_33, %max3A_20 : vector<2048x128xf32>
    %reduce_sum3A = arith.constant dense<0.000000e+00> : vector<128xf32>
    %reduce_sum3A_35 = vector.multi_reduction <add>, %mul3A_34, %reduce_sum3A [0] : vector<2048x128xf32> to vector<128xf32>
    %broadcast_in_dim3A_36 = vector.shape_cast %reduce_sum3A_35 : vector<128xf32> to vector<1x128xf32>
    %add3A_37 = arith.addf %get3A_31, %broadcast_in_dim3A_36 : vector<1x128xf32>
    %swap3A = arith.constant 0 : index
    %swap3A_38 = arith.constant 0 : index
    %swap3A_39 = vector.load %arg10[%swap3A, %swap3A_38] : memref<1x128xf32, #tpu.memory_space<vmem>>, vector<1x128xf32>
    tpu.vector_store %arg10[%swap3A, %swap3A_38], %add3A_37 {strides = array<i32>} : memref<1x128xf32, #tpu.memory_space<vmem>>, vector<1x128xf32>,
    %eq3A_40 = arith.constant 4 : i32
    %eq3A_41 = arith.cmpi eq, %arg0, %eq3A_40 : i32
    %convert_element_type3A_42 = arith.extui %eq3A_41 : i1 to i32
    %cond3A_43 = arith.constant 0 : i32
    %cond3A_44 = arith.cmpi ne, %convert_element_type3A_42, %cond3A_43 : i32
    scf.if %cond3A_44 {
      %get3A_45 = arith.constant 0 : index
      %get3A_46 = arith.constant 0 : index
      %get3A_47 = vector.load %arg10[%get3A_45, %get3A_46] : memref<1x128xf32, #tpu.memory_space<vmem>>, vector<1x128xf32>
      %get3A_48 = arith.constant 0 : index
      %get3A_49 = arith.constant 0 : index
      %get3A_50 = vector.load %arg7[%get3A_48, %get3A_49] : memref<128x16xf32, #tpu.memory_space<vmem>>, vector<128x16xf32>
      %dot_general3A = arith.constant dense<0.000000e+00> : vector<1x16xf32>
      %dot_general3A_51 = tpu.matmul %get3A_47, %get3A_50, %dot_general3A {dimension_numbers = #tpu.dot_dimension_numbers<[1], [0], [0], [1], [0, 0, 1, 1], [], []>, transpose_lhs_hint = false} : vector<1x128xf32>, vector<128x16xf32>, vector<1x16xf32> -> vector<1x16xf32>
      %mul3A_52 = arith.constant 9.99999974E-5 : f32
      %mul3A_53 = vector.broadcast %mul3A_52 : f32 to vector<1x16xf32>
      %mul3A_54 = arith.mulf %dot_general3A_51, %mul3A_53 : vector<1x16xf32>
      %get3A_55 = arith.constant 0 : index
      %get3A_56 = arith.constant 0 : index
      %get3A_57 = vector.load %arg8[%get3A_55, %get3A_56] : memref<1x16xf32, #tpu.memory_space<vmem>>, vector<1x16xf32>
      %add3A_58 = arith.addf %mul3A_54, %get3A_57 : vector<1x16xf32>
      %swap3A_59 = arith.constant 0 : index
      %swap3A_60 = arith.constant 0 : index
      %swap3A_61 = vector.load %arg9[%swap3A_59, %swap3A_60] : memref<1x16xf32, #tpu.memory_space<vmem>>, vector<1x16xf32>
      tpu.vector_store %arg9[%swap3A_59, %swap3A_60], %add3A_58 {strides = array<i32>} : memref<1x16xf32, #tpu.memory_space<vmem>>, vector<1x16xf32>,
    } else {
    }
    return
  }
  func.func @transform_0(%arg0: i32) -> (i32, i32, i32) {
    %c0_i32 = arith.constant 0 : i32
    %c0_i32_0 = arith.constant 0 : i32
    %c0_i32_1 = arith.constant 0 : i32
    return %c0_i32, %arg0, %c0_i32_0 : i32, i32, i32
  }
  func.func @transform_1(%arg0: i32) -> i32 {
    %c0_i32 = arith.constant 0 : i32
    return %arg0 : i32
  }
  func.func @transform_2(%arg0: i32) -> i32 {
    %add3A = arith.constant 5 : i32
    %add3A_0 = arith.addi %arg0, %add3A : i32
    %c0_i32 = arith.constant 0 : i32
    return %add3A_0 : i32
  }
  func.func @transform_3(%arg0: i32) -> i32 {
    %c0_i32 = arith.constant 0 : i32
    return %arg0 : i32
  }
  func.func @transform_4(%arg0: i32) -> i32 {
    %c0_i32 = arith.constant 0 : i32
    return %arg0 : i32
  }
  func.func @transform_5(%arg0: i32) -> (i32, i32) {
    %c0_i32 = arith.constant 0 : i32
    %c0_i32_0 = arith.constant 0 : i32
    %c0_i32_1 = arith.constant 0 : i32
    return %c0_i32, %c0_i32_0 : i32, i32
  }
  func.func @transform_6(%arg0: i32) -> (i32, i32) {
    %c0_i32 = arith.constant 0 : i32
    %c0_i32_0 = arith.constant 0 : i32
    %c0_i32_1 = arith.constant 0 : i32
    return %c0_i32, %c0_i32_0 : i32, i32
  }
  func.func @transform_7(%arg0: i32) -> (i32, i32) {
    %c0_i32 = arith.constant 0 : i32
    %c0_i32_0 = arith.constant 0 : i32
    %c0_i32_1 = arith.constant 0 : i32
    return %c0_i32, %c0_i32_0 : i32, i32
  }
  func.func @transform_8(%arg0: i32) -> (i32, i32) {
    %c0_i32 = arith.constant 0 : i32
    %c0_i32_0 = arith.constant 0 : i32
    %c0_i32_1 = arith.constant 0 : i32
    return %c0_i32, %c0_i32_0 : i32, i32
  }
}

module attributes {stable_mosaic.version = 14 : i64} {
  func.func @body(%arg0: i32, %arg1: memref<2048x128xf32, #tpu.memory_space<vmem>>, %arg2: memref<128x128xf32, #tpu.memory_space<vmem>>, %arg3: memref<2048xf32, #tpu.memory_space<vmem>>, %arg4: memref<2048xf32, #tpu.memory_space<vmem>>, %arg5: memref<2048xf32, #tpu.memory_space<vmem>>, %arg6: memref<2048xf32, #tpu.memory_space<vmem>>, %arg7: memref<2048x128xf32, #tpu.memory_space<vmem>>, %arg8: memref<2048xf32, #tpu.memory_space<vmem>>, %arg9: memref<2048xf32, #tpu.memory_space<vmem>>) attributes {dimension_semantics = [#tpu.dimension_semantics<arbitrary>], iteration_bounds = array<i64: 5>, scalar_prefetch = 0 : i64, scratch_operands = 0 : i64, tpu.core_type = #tpu.core_type<tc>, window_params = [{transform_indices = @transform_0, window_bounds = array<i64: 2048, 128>}, {pipeline_mode = #tpu.pipeline_mode<synchronous>, transform_indices = @transform_1, window_bounds = array<i64: 128, 128>}, {transform_indices = @transform_2, window_bounds = array<i64: 2048>}, {transform_indices = @transform_3, window_bounds = array<i64: 2048>}, {transform_indices = @transform_4, window_bounds = array<i64: 2048>}, {transform_indices = @transform_5, window_bounds = array<i64: 2048>}, {transform_indices = @transform_6, window_bounds = array<i64: 2048, 128>}, {transform_indices = @transform_7, window_bounds = array<i64: 2048>}, {transform_indices = @transform_8, window_bounds = array<i64: 2048>}]} {
    %get3A = arith.constant 0 : index
    %get3A_0 = vector.load %arg3[%get3A] : memref<2048xf32, #tpu.memory_space<vmem>>, vector<2048xf32>
    %get3A_1 = arith.constant 0 : index
    %get3A_2 = vector.load %arg4[%get3A_1] : memref<2048xf32, #tpu.memory_space<vmem>>, vector<2048xf32>
    %add3A = arith.addf %get3A_0, %get3A_2 : vector<2048xf32>
    %max3A = arith.constant 1.000000e+00 : f32
    %max3A_3 = vector.broadcast %max3A : f32 to vector<2048xf32>
    %max3A_4 = arith.maximumf %add3A, %max3A_3 : vector<2048xf32>
    %rsqrt3A = math.rsqrt %max3A_4 : vector<2048xf32>
    %get3A_5 = arith.constant 0 : index
    %get3A_6 = vector.load %arg5[%get3A_5] : memref<2048xf32, #tpu.memory_space<vmem>>, vector<2048xf32>
    %get3A_7 = arith.constant 0 : index
    %get3A_8 = vector.load %arg6[%get3A_7] : memref<2048xf32, #tpu.memory_space<vmem>>, vector<2048xf32>
    %add3A_9 = arith.addf %get3A_6, %get3A_8 : vector<2048xf32>
    %max3A_10 = arith.constant 1.000000e+00 : f32
    %max3A_11 = vector.broadcast %max3A_10 : f32 to vector<2048xf32>
    %max3A_12 = arith.maximumf %add3A_9, %max3A_11 : vector<2048xf32>
    %rsqrt3A_13 = math.rsqrt %max3A_12 : vector<2048xf32>
    %swap3A = arith.constant 0 : index
    %swap3A_14 = vector.load %arg8[%swap3A] : memref<2048xf32, #tpu.memory_space<vmem>>, vector<2048xf32>
    tpu.vector_store %arg8[%swap3A], %rsqrt3A {strides = array<i32>} : memref<2048xf32, #tpu.memory_space<vmem>>, vector<2048xf32>,
    %swap3A_15 = arith.constant 0 : index
    %swap3A_16 = vector.load %arg9[%swap3A_15] : memref<2048xf32, #tpu.memory_space<vmem>>, vector<2048xf32>
    tpu.vector_store %arg9[%swap3A_15], %rsqrt3A_13 {strides = array<i32>} : memref<2048xf32, #tpu.memory_space<vmem>>, vector<2048xf32>,
    %get3A_17 = arith.constant 0 : index
    %get3A_18 = arith.constant 0 : index
    %get3A_19 = vector.load %arg1[%get3A_17, %get3A_18] : memref<2048x128xf32, #tpu.memory_space<vmem>>, vector<2048x128xf32>
    %get3A_20 = arith.constant 0 : index
    %get3A_21 = arith.constant 0 : index
    %get3A_22 = vector.load %arg2[%get3A_20, %get3A_21] : memref<128x128xf32, #tpu.memory_space<vmem>>, vector<128x128xf32>
    %dot_general3A = arith.constant dense<0.000000e+00> : vector<2048x128xf32>
    %dot_general3A_23 = tpu.matmul %get3A_19, %get3A_22, %dot_general3A {dimension_numbers = #tpu.dot_dimension_numbers<[1], [0], [0], [1], [0, 0, 1, 1], [], []>, transpose_lhs_hint = false} : vector<2048x128xf32>, vector<128x128xf32>, vector<2048x128xf32> -> vector<2048x128xf32>
    %broadcast_in_dim3A = vector.shape_cast %rsqrt3A : vector<2048xf32> to vector<2048x1xf32>
    %mul3A = vector.broadcast %broadcast_in_dim3A : vector<2048x1xf32> to vector<2048x128xf32>
    %mul3A_24 = arith.mulf %dot_general3A_23, %mul3A : vector<2048x128xf32>
    %swap3A_25 = arith.constant 0 : index
    %swap3A_26 = arith.constant 0 : index
    %swap3A_27 = vector.load %arg7[%swap3A_25, %swap3A_26] : memref<2048x128xf32, #tpu.memory_space<vmem>>, vector<2048x128xf32>
    tpu.vector_store %arg7[%swap3A_25, %swap3A_26], %mul3A_24 {strides = array<i32>} : memref<2048x128xf32, #tpu.memory_space<vmem>>, vector<2048x128xf32>,
    return
  }
  func.func @transform_0(%arg0: i32) -> (i32, i32) {
    %c0_i32 = arith.constant 0 : i32
    %c0_i32_0 = arith.constant 0 : i32
    return %arg0, %c0_i32 : i32, i32
  }
  func.func @transform_1(%arg0: i32) -> (i32, i32) {
    %c0_i32 = arith.constant 0 : i32
    %c0_i32_0 = arith.constant 0 : i32
    %c0_i32_1 = arith.constant 0 : i32
    return %c0_i32, %c0_i32_0 : i32, i32
  }
  func.func @transform_2(%arg0: i32) -> i32 {
    %c0_i32 = arith.constant 0 : i32
    return %arg0 : i32
  }
  func.func @transform_3(%arg0: i32) -> i32 {
    %add3A = arith.constant 5 : i32
    %add3A_0 = arith.addi %arg0, %add3A : i32
    %c0_i32 = arith.constant 0 : i32
    return %add3A_0 : i32
  }
  func.func @transform_4(%arg0: i32) -> i32 {
    %c0_i32 = arith.constant 0 : i32
    return %arg0 : i32
  }
  func.func @transform_5(%arg0: i32) -> i32 {
    %add3A = arith.constant 5 : i32
    %add3A_0 = arith.addi %arg0, %add3A : i32
    %c0_i32 = arith.constant 0 : i32
    return %add3A_0 : i32
  }
  func.func @transform_6(%arg0: i32) -> (i32, i32) {
    %c0_i32 = arith.constant 0 : i32
    %c0_i32_0 = arith.constant 0 : i32
    return %arg0, %c0_i32 : i32, i32
  }
  func.func @transform_7(%arg0: i32) -> i32 {
    %c0_i32 = arith.constant 0 : i32
    return %arg0 : i32
  }
  func.func @transform_8(%arg0: i32) -> i32 {
    %c0_i32 = arith.constant 0 : i32
    return %arg0 : i32
  }
}

</mosaic_0001>

<sc_bundles>
// kernel: kernel.6.cloned.1.call-start
scs
__scs_entry_jumppad:
0x0: {  	(pc) =	sbr.rel $0x88, $3  }
0x1: {  	(tag) =	ssettag $0x0;
	lr =	simm.s32 $0x1  }
0x2: {  	[smem:$0x3F9B] =	sst lr;
	_ =	strace $0xD0000000  }
0x3: {  	_ = 	snop  }
0x4: {  	_ = 	snop  }
0x5: {  	_ = 	snop  }
0x6: {  	_ = 	snop  }
0x7: {  	_ = 	snop  }
__scs_overlays_trampoline_lowered:
0x8: {  	[smem:$0x3FAA] =	sst s0  }
0x9: {  	[smem:$0x3FAB] =	sst s1  }
0xa: {  	[smem:$0x3FAC] =	sst s2  }
0xb: {  	[smem:$0x3FAD] =	sst s3  }
0xc: {  	[smem:$0x3FAE] =	sst s4  }
0xd: {  	[smem:$0x3FAF] =	sst s5  }
0xe: {  	[smem:$0x3FB0] =	sst s6  }
0xf: {  	[smem:$0x3FB1] =	sst s7  }
0x10: {  	[smem:$0x3FB2] =	sst s8  }
0x11: {  	[smem:$0x3FB3] =	sst s9;
	s0 =	simm.s32 @!p0 $0x0  }
0x12: {  	s1 =	sld [smem:$0x3F99];
	s0 =	simm.s32 @p0 $0x1  }
0x13: {  	[smem:$0x3FB4] =	sst s0;
	s0 =	simm.s32 @!p1 $0x0  }
0x14: {  	s2 =	sld [smem:$0x3F98];
	s0 =	simm.s32 @p1 $0x1  }
0x15: {  	[smem:$0x3FB5] =	sst s0;
	s0 =	simm.s32 @!p2 $0x0  }
0x16: {  	s3 =	sld [smem:$0x3FDB];
	s0 =	simm.s32 @p2 $0x1  }
0x17: {  	s4 =	simm.s32 $0x1BF5;
	[smem:$0x3FB7] =	sst s0  }
0x18: {  	s0 =	sld [smem:$0x3F9A];
	_ =	swait.ge [sflag:s4], $0x0  }
0x19: {  	s7 =	sld [smem:$0x3F9B]  }
0x1a: {  	s8 =	sadd.s32 $0xFFFFE003, lr  }
0x1b: {  	s9 =	sadd.s32 $0xFFFFFEF7, lr;
	s5 =	simm.s32 $0xFFFFFFFF;
	p2 =	slt.u32 s8, $0xFFFFF086  }
0x1c: {  	p1 =	slt.u32 s9, $0xF7A;
	s5 =	simm.s32 @!p2 $0x0  }
0x1d: {  	s5 =	simm.s32 @p1 $0x1;
	p0 =	seq.s32 s7, s2  }
0x1e: {  	s7 =	smul.u32 @!p0 $0xF7A, s2;
	p2 =	seq.s32 @!p0 s5, $0x0  }
0x1f: {  	s9 =	smul.u32 $0xF7A, s1;
	s8 =	simm.s32 @!p0 $0x1BF5;
	p2 =	por !p2, p0  }
0x20: {  	[sflag:s8] =	ssyncset.s32 @!p0 $0xFFFFF086;
	s6 =	sadd.s32 @!p0 s3, s7;
	s7 =	simm.s32 @!p0 $0x108  }
0x21: {  	s3 =	sadd.s32 s3, s9;
	s6 =	sadd.s32 @!p0 $0x88, s6;
	s7 =	simm.s32 @p2 $0x1082  }
0x22: {  	[simem:s7], [sflag:s8] =	dma.local @!p0 [hbm:s6], $0xF7A  }
0x23: {  	s9 =	sor.u32 $0xD0000000, s2;
	s6 =	simm.s32 $0x108;
	_ =	swait.ge @!p0 [sflag:s8], $0x0  }
0x24: {  	s3 =	sadd.s32 $0x88, s3;
	s6 =	simm.s32 @!p1 $0x1082;
	[sflag:s4] =	ssyncset.s32 $0xFFFFF086  }
0x25: {  	[simem:s6], [sflag:s4] =	dma.local [hbm:s3], $0xF7A  }
0x26: {  	[smem:$0x3F9B] =	sst s1;
	(tag) =	ssettag s2;
	_ =	strace s9  }
0x27: {  	s1 =	sld [smem:$0x3FAB]  }
0x28: {  	s2 =	sld [smem:$0x3FAC]  }
0x29: {  	s4 =	sld [smem:$0x3FAE]  }
0x2a: {  	p0 =	seq.s32 s5, $0x0;
	s5 =	sld [smem:$0x3FAF]  }
0x2b: {  	s6 =	sld [smem:$0x3FB0]  }
0x2c: {  	s7 =	sld [smem:$0x3FB1]  }
0x2d: {  	s3 =	simm.s32 $0x108;
	s8 =	sld [smem:$0x3FB2]  }
0x2e: {  	s3 =	simm.s32 @!p0 $0x1082;
	s9 =	sld [smem:$0x3FB3]  }
0x2f: {  	lr =	sadd.s32 s0, s3;
	s0 =	sld [smem:$0x3FAA]  }
0x30: {  	s3 =	sld [smem:$0x3FAD]  }
0x31: {  	[smem:$0x3FB6] =	sst s10  }
0x32: {  	s10 =	sld [smem:$0x3FB4];
	_ =	sdelay $0x3  }
0x33: {  	p0 =	seq.s32 s10, $0x1;
	s10 =	sld [smem:$0x3FB6];
	_ =	sdelay $0x3  }
0x34: {  	[smem:$0x3FB6] =	sst s10  }
0x35: {  	s10 =	sld [smem:$0x3FB5];
	_ =	sdelay $0x3  }
0x36: {  	p1 =	seq.s32 s10, $0x1;
	s10 =	sld [smem:$0x3FB6];
	_ =	sdelay $0x3  }
0x37: {  	[smem:$0x3FB6] =	sst s10  }
0x38: {  	s10 =	sld [smem:$0x3FB7]  }
0x39: {  	_ = 	snop;
	(pc) =	sbr.ind lr, $3  }
0x3a: {  	_ = 	snop  }
0x3b: {  	_ = 	snop  }
0x3c: {  	p2 =	seq.s32 s10, $0x1;
	s10 =	sld [smem:$0x3FB6]  }
0x3d: {  	_ =	shalt  }
0x3e: {  	_ =	shalt  }
0x3f: {  	_ =	shalt  }
0x40: {  	_ =	shalt  }
0x41: {  	_ =	shalt  }
0x42: {  	_ =	shalt  }
0x43: {  	_ =	shalt  }
0x44: {  	_ =	shalt  }
0x45: {  	_ =	shalt  }
0x46: {  	_ =	shalt  }
0x47: {  	_ =	shalt  }
0x48: {  	_ =	shalt  }
0x49: {  	_ =	shalt  }
0x4a: {  	_ =	shalt  }
0x4b: {  	_ =	shalt  }
0x4c: {  	_ =	shalt  }
0x4d: {  	_ =	shalt  }
0x4e: {  	_ =	shalt  }
0x4f: {  	_ =	shalt  }
0x50: {  	_ =	shalt  }
0x51: {  	_ =	shalt  }
0x52: {  	_ =	shalt  }
0x53: {  	_ =	shalt  }
0x54: {  	_ =	shalt  }
0x55: {  	_ =	shalt  }
0x56: {  	_ =	shalt  }
0x57: {  	_ =	shalt  }
0x58: {  	_ =	shalt  }
0x59: {  	_ =	shalt  }
0x5a: {  	_ =	shalt  }
0x5b: {  	_ =	shalt  }
0x5c: {  	_ =	shalt  }
0x5d: {  	_ =	shalt  }
0x5e: {  	_ =	shalt  }
0x5f: {  	_ =	shalt  }
0x60: {  	_ =	shalt  }
0x61: {  	_ =	shalt  }
0x62: {  	_ =	shalt  }
0x63: {  	_ =	shalt  }
0x64: {  	_ =	shalt  }
0x65: {  	_ =	shalt  }
0x66: {  	_ =	shalt  }
0x67: {  	_ =	shalt  }
0x68: {  	_ =	shalt  }
0x69: {  	_ =	shalt  }
0x6a: {  	_ =	shalt  }
0x6b: {  	_ =	shalt  }
0x6c: {  	_ =	shalt  }
0x6d: {  	_ =	shalt  }
0x6e: {  	_ =	shalt  }
0x6f: {  	_ =	shalt  }
0x70: {  	_ =	shalt  }
0x71: {  	_ =	shalt  }
0x72: {  	_ =	shalt  }
0x73: {  	_ =	shalt  }
0x74: {  	_ =	shalt  }
0x75: {  	_ =	shalt  }
0x76: {  	_ =	shalt  }
0x77: {  	_ =	shalt  }
0x78: {  	_ =	shalt  }
0x79: {  	_ =	shalt  }
0x7a: {  	_ =	shalt  }
0x7b: {  	_ =	shalt  }
0x7c: {  	_ =	shalt  }
0x7d: {  	_ =	shalt  }
0x7e: {  	_ =	shalt  }
0x7f: {  	_ =	shalt  }
0x80: {  	_ =	shalt  }
0x81: {  	_ =	shalt  }
0x82: {  	_ =	shalt  }
0x83: {  	_ =	shalt  }
0x84: {  	_ =	shalt  }
0x85: {  	_ =	shalt  }
0x86: {  	_ =	shalt  }
0x87: {  	_ =	shalt  }
.Lfunc_end0:
.L_simem_size_0:
called_computation_lowered:
.L_overlay_start_0:
0x88: {  	s2 =	sld [smem:$0x3FD9]  }
0x89: {  	s3 =	sld [smem:$0x3FFE];
	_ =	sdelay $0x1  }
0x8a: {  	s1 =	srdreg.scid  }
0x8b: {  	s0 =	sand.u32 $0x1, s1  }
0x8c: {  	s17 =	sshll.u32 s0, $0xA;
	s2 =	sadd.s32 s3, s2  }
0x8d: {  	s2 =	sadd.s32 s2, s17  }
0x8e: {  	[smem:$0x3FC2] =	sst s2  }
0x8f: {  	_ = 	snop  }
0x90: {  	s2 =	sld [smem:$0x3FC8];
	(tm) =	ssettm $0x1  }
0x91: {  	s18 =	sld [smem:$0x3FFB];
	_ =	sdelay $0x3  }
0x92: {  	_ =	strace s18  }
0x93: {  	s3 =	sld [smem:$0x3FFC];
	_ =	sdelay $0x3  }
0x94: {  	_ =	strace s3  }
0x95: {  	s3 =	sld [smem:$0x3FFD];
	_ =	sdelay $0x3  }
0x96: {  	_ =	strace s3  }
0x97: {  	_ =	strace $0x8FFFFFFF  }
0x98: {  	s19 =	sld [smem:$0x3FDB];
	_ =	sdelay $0x1  }
0x99: {  	s4 =	simm.s32 $_scs_section_size  }
0x9a: {  	s5 =	simm.s32 $_size__tile_overlayer_lowered;
	s6 =	simm.s32 $_tile_overlayer_lowered  }
0x9b: {  	s22 =	simm.s32 $0x1BFF;
	s21 =	sshll.u32 s6, $0x1;
	s3 =	sadd.s32 s4, s19  }
0x9c: {  	s7 =	simm.s32 $0x0;
	s20 =	sshll.u32 s5, $0x1;
	s5 =	sadd.s32 s21, s3  }
0x9d: {  	[timem:s7], [sflag:s22] =	dma.local [hbm:s5], s20  }
0x9e: {  	_ =	swait.ge [sflag:s22], s20  }
0x9f: {  	s4 =	ssub.s32 $0x0, s20;
	[sflag:s22] =	ssyncset.done $0x0  }
0xa0: {  	[sflag:s22] =	ssyncadd.s32 s4;
	_ =	sdelay $0x1  }
0xa1: {  	s23 =	simm.s32 $0x1B8B  }
0xa2: {  	_ =	swait.ge [sflag:s23], $0x1  }
0xa3: {  	[sflag:s23] =	ssyncset.done $0x0  }
0xa4: {  	s25 =	simm.s32 $0x1B8E;
	s24 =	sld [smem:$0x3FFE];
	[sflag:s23] =	ssyncadd.s32 $0xFFFFFFFF  }
0xa5: {  	s26 =	simm.s32 $execute0_lowered;
	[smem:$0x3FD2] =	sst s25  }
0xa6: {  	s5 =	sshll.u32 s26, $0x1;
	_ =	strace $0x80000046;
	[dreg:$0x1] =	wrdreg $0xFFFFFFFF  }
0xa7: {  	s28 =	simm.s32 $_size_execute0_lowered;
	s3 =	sadd.s32 s3, s5;
	[dreg:$0x0] =	wrdreg $0x0  }
0xa8: {  	s5 =	sshll.u32 s28, $0x1;
	[dreg:$0x2] =	wrdreg s3  }
0xa9: {  	[dreg:$0x3] =	wrdreg s5  }
0xaa: {  	[dreg:$0x4] =	wrdreg $0xC0  }
0xab: {  	_ =	task [dreg:s7], $0x5FFFF  }
0xac: {  	[dreg:$0x1] =	wrdreg $0xFFFFFFFF  }
0xad: {  	[dreg:$0x0] =	wrdreg $0x60  }
0xae: {  	[dreg:$0x2] =	wrdreg s2  }
0xaf: {  	[dreg:$0x3] =	wrdreg s24  }
0xb0: {  	[dreg:$0x4] =	wrdreg $0xB000  }
0xb1: {  	[dreg:$0x5] =	wrdreg $0xD800  }
0xb2: {  	[dreg:$0x6] =	wrdreg $0x9  }
0xb3: {  	_ =	task.clear_ibuf [dreg:s7], $0x7FFFF;
	_ =	strace $0x90000046  }
0xb4: {  	s29 =	simm.s32 $0x9;
	_ =	strace $0x80000048  }
0xb5: {  	_ =	swait.ge [sflag:s29], $0x1  }
0xb6: {  	[sflag:s29] =	ssyncadd.s32 $0xFFFFFFFF  }
0xb7: {  	_ =	strace $0x90000048  }
0xb8: {  	_ =	sfence  }
0xb9: {  	s30 =	sld [smem:$0x0];
	_ =	sdelay $0x2  }
0xba: {  	s31 =	sshll.u32 s1, $0xD;
	s1 =	sshrl.u32 s1, $0x2  }
0xbb: {  	s3 =	sand.u32 $0x4000, s31;
	s1 =	sadd.s32 s1, s30  }
0xbc: {  	s0 =	sor.u32 s3, s0;
	s1 =	sshll.u32 s1, $0x11  }
0xbd: {  	s0 =	sor.u32 s1, s0  }
0xbe: {  	s0 =	sadd.s32 $0x8F2B, s0  }
0xbf: {  	[sflag:s0] =	ssyncadd.remote.s32 $0x1  }
0xc0: {  	_ =	sfence.sel $0xFFFF  }
0xc1: {  	[dreg:$0x0] =	wrdreg $0xFFFFFFFF;
	(pc) =	sbr.abs _section_cstart, $3  }
0xc2: {  	[dreg:$0x1] =	wrdreg $0xFFFFFFFF  }
0xc3: {  	_ =	task.clear_ibuf [dreg:s7], $0x2FFFF;
	_ =	strace $0x9FFFFFFF  }
0xc4: {  	(tm) =	ssettm $0x7FFFFFFF  }
0xc5: {  	_ =	shalt  }
tec
execute0_lowered:
.L_overlay_start_1:
0x0: {  	(tag) =	ssettag $0x1  }
0x1: {  	s0 =	rddreg [dreg:$0x0]  }
0x2: {  	s1 =	rddreg [dreg:$0x1]  }
0x3: {  	s2 =	rddreg [dreg:$0x2];
	s4 =	srdreg.scid  }
0x4: {  	s18 =	stileid.u32;
	s3 =	rddreg [dreg:$0x3]  }
0x5: {  	s16 =	simm.s32 $0x880;
	s17 =	simm.s32 $0x19;
	s21 =	simm.s32 $0x80  }
0x6: {  	s28 =	simm.s32 $0xD;
	s29 =	simm.s32 $0x15;
	s30 =	simm.s32 $0xE  }
0x7: {  	s31 =	simm.s32 $0x16;
	s8 =	sand.u32 $0x1, s4;
	s6 =	smul.u32 $0x280, s18  }
0x8: {  	s4 =	simm.s32 $0x0;
	s7 =	sshll.u32 s18, $0x1;
	s12 =	smul.u32 $0x9C, s18  }
0x9: {  	p0 =	sgt.u32 s18, $0x1;
	s5 =	smul.u32 $0x2800, s8;
	[smem:$0x7FF] =	sst s4  }
0xa: {  	s9 =	ssub.s32 $0x2, s8;
	s10 =	sor.u32 s8, s7;
	s13 =	smul.u32 $0x4E, s8  }
0xb: {  	_ =	strace $0x80000047;
	s22 =	sshrl.u32 s9, $0x1;
	s7 =	smul.u32 $0x4E00, s10  }
0xc: {  	s23 =	smul.u32 $0x9C0, s10;
	s15 =	sshll.u32 s10, $0x5;
	s5 =	sadd.s32 s6, s5  }
0xd: {  	s14 =	ssub.s32 s9, s22;
	s25 =	sadd.s32 s15, s0;
	s13 =	sadd.s32 s13, s12  }
0xe: {  	s22 =	simm.s32 $0x800;
	s5 =	sshrl.u32 s5, $0x3;
	s11 =	sshrl.u32 s7, $0x3  }
0xf: {  	s7 =	sadd.s32 s0, s23;
	s26 =	sshll.u32 s13, $0x5;
	s14 =	smax.u32 s14, $0x1  }
0x10: {  	s23 =	simm.s32 $0xB;
	s1 =	sadd.s32 s5, s1;
	s5 =	sadd.s32 s6, s2  }
0x11: {  	s6 =	sadd.s32 s6, s3;
	s11 =	sadd.s32 s0, s11;
	s24 =	sadd.s32 $0x20, s7  }
0x12: {  	s0 =	sadd.s32 s0, s26;
	s26 =	simm.s32 $0x14;
	[dreg:$0x5] =	wrdreg s24  }
0x13: {  	s9 =	sadd.s32 $0x40, s11;
	s10 =	sadd.s32 $0x60, s11;
	s11 =	sadd.s32 $0x13800, s25  }
0x14: {  	s12 =	sadd.s32 $0x3200, s1;
	s13 =	sadd.s32 $0x3C00, s1;
	s0 =	sadd.s32 $0x80, s0  }
0x15: {  	v0 =	vimm.f32 $1.000000000e+00;
	v1 =	vimm.f32 $0.0e+00;
	s24 =	simm.s32 $0x13;
	s25 =	simm.s32 $0xC;
	s1 =	simm.s32 $0x0  }
.LBB2_1:
0x16: {  	[tilespmem:$0x800] =	vst v0  }
0x17: {  	[tilespmem:$0x810] =	vst v0  }
0x18: {  	[tilespmem:$0x820] =	vst v0  }
0x19: {  	[tilespmem:$0x830] =	vst v0  }
0x1a: {  	[tilespmem:$0x840] =	vst v0  }
0x1b: {  	[tilespmem:$0x850] =	vst v0  }
0x1c: {  	[tilespmem:$0x860] =	vst v0  }
0x1d: {  	[tilespmem:$0x870] =	vst v0  }
0x1e: {  	[tilespmem:$0x880] =	vst v1  }
0x1f: {  	[tilespmem:$0x890] =	vst v1  }
0x20: {  	[tilespmem:$0x8A0] =	vst v1  }
0x21: {  	[tilespmem:$0x8B0] =	vst v1  }
0x22: {  	[tilespmem:$0x8C0] =	vst v1  }
0x23: {  	[tilespmem:$0x8D0] =	vst v1  }
0x24: {  	[tilespmem:$0x8E0] =	vst v1  }
0x25: {  	[tilespmem:$0x8F0] =	vst v1  }
0x26: {  	[tilespmem:$0x900] =	vst v1  }
0x27: {  	[tilespmem:$0x910] =	vst v1  }
0x28: {  	[tilespmem:$0x920] =	vst v1  }
0x29: {  	[tilespmem:$0x930] =	vst v1  }
0x2a: {  	[tilespmem:$0x940] =	vst v1  }
0x2b: {  	[tilespmem:$0x950] =	vst v1  }
0x2c: {  	[tilespmem:$0x960] =	vst v1  }
0x2d: {  	[tilespmem:$0x970] =	vst v1  }
0x2e: {  	[tilespmem:$0x980] =	vst v1  }
0x2f: {  	[tilespmem:$0x990] =	vst v1  }
0x30: {  	[tilespmem:$0x9A0] =	vst v1  }
0x31: {  	[tilespmem:$0x9B0] =	vst v1  }
0x32: {  	[tilespmem:$0x9C0] =	vst v1  }
0x33: {  	[tilespmem:$0x9D0] =	vst v1  }
0x34: {  	[tilespmem:$0x9E0] =	vst v1  }
0x35: {  	[tilespmem:$0x9F0] =	vst v1  }
0x36: {  	[tilespmem:$0xA00] =	vst v1  }
0x37: {  	[tilespmem:$0xA10] =	vst v1  }
0x38: {  	[tilespmem:$0xA20] =	vst v1  }
0x39: {  	[tilespmem:$0xA30] =	vst v1  }
0x3a: {  	[tilespmem:$0xA40] =	vst v1  }
0x3b: {  	[tilespmem:$0xA50] =	vst v1  }
0x3c: {  	[tilespmem:$0xA60] =	vst v1  }
0x3d: {  	[tilespmem:$0xA70] =	vst v1  }
0x3e: {  	[tilespmem:$0xA80] =	vst v1  }
0x3f: {  	[tilespmem:$0xA90] =	vst v1  }
0x40: {  	[tilespmem:$0xAA0] =	vst v1  }
0x41: {  	[tilespmem:$0xAB0] =	vst v1  }
0x42: {  	[tilespmem:$0xAC0] =	vst v1  }
0x43: {  	[tilespmem:$0xAD0] =	vst v1  }
0x44: {  	[tilespmem:$0xAE0] =	vst v1  }
0x45: {  	[tilespmem:$0xAF0] =	vst v1  }
0x46: {  	[spmem:s5] =	stream.linear.scatter [tilespmem:s16], [sflag:$0x19], $0x280, $0x38;
	[tilespmem:$0x1000] =	vst v63  }
0x47: {  	_ =	swait.ge [sflag:s17], $0x280  }
0x48: {  	[sflag:s17] =	ssyncset.done $0x0  }
0x49: {  	[sflag:s17] =	ssyncadd.s32 $0xFFFFFD80  }
0x4a: {  	[spmem:s6] =	stream.linear.scatter [tilespmem:s16], [sflag:$0x19], $0x280, $0x38;
	[tilespmem:$0x1000] =	vst v63  }
0x4b: {  	_ =	swait.ge [sflag:s17], $0x280  }
0x4c: {  	[sflag:s17] =	ssyncset.done $0x0  }
0x4d: {  	[sflag:s17] =	ssyncadd.s32 $0xFFFFFD80  }
0x4e: {  	[bflag:$0x0] =	sbarrier.arrive $0xFFFF  }
0x4f: {  	[tilespmem:s4], [sflag:$0x1] =	stream.linear.gather [hbm4b:s7+s4], $0x100, $0x38;
	[tilespmem:$0x1000] =	vst v63  }
0x50: {  	s15 =	simm.s32 $0x100;
	s8 =	rddreg [dreg:$0x5]  }
0x51: {  	[tilespmem:s15], [sflag:$0x2] =	stream.linear.gather [hbm4b:s8+s4], $0x100, $0x38;
	[tilespmem:$0x1000] =	vst v63  }
0x52: {  	s19 =	simm.s32 $0x200  }
0x53: {  	[tilespmem:s19], [sflag:$0x3] =	stream.linear.gather [hbm4b:s9+s4], $0x100, $0x38;
	[tilespmem:$0x1000] =	vst v63  }
0x54: {  	s20 =	simm.s32 $0x300;
	s18 =	simm.s32 $0x0;
	s15 =	smov.u32 s0  }
0x55: {  	[tilespmem:s20], [sflag:$0x4] =	stream.linear.gather [hbm4b:s10+s4], $0x100, $0x38;
	[tilespmem:$0x1000] =	vst v63  }
.LBB2_2:
0x56: {  	s19 =	sadd.s32 $0x4, s18  }
0x57: {  	p1 =	slt.u32 s18, $0x4;
	s19 =	sand.u32 $0x7, s19  }
0x58: {  	s20 =	sadd.s32 @!p1 $0x9, s19  }
0x59: {  	_ =	swait.ge @!p1 [sflag:s20], $0x80  }
0x5a: {  	[sflag:s20] =	ssyncset.done @!p1 $0x0  }
0x5b: {  	[sflag:s20] =	ssyncadd.s32 @!p1 $0xFFFFFF80;
	s20 =	sadd.s32 @!p1 $0x11, s19  }
0x5c: {  	p2 =	sgt.u32 @!p1 s18, $0x49;
	_ =	swait.ge @!p1 [sflag:s20], $0x80  }
0x5d: {  	p2 =	por p1, !p2;
	[sflag:s20] =	ssyncset.done @!p1 $0x0  }
0x5e: {  	[sflag:s20] =	ssyncadd.s32 @!p1 $0xFFFFFF80;
	s20 =	sshll.u32 @p2 s19, $0x8;
	s19 =	sadd.s32 @p2 $0x1, s19  }
0x5f: {  	[tilespmem:s20], [sflag:s19] =	stream.linear.gather @p2 [hbm4b:s15+s4], $0x100, $0x38;
	[tilespmem:$0x1000] =	vst v63  }
0x60: {  	s19 =	sand.u32 $0x7, s18  }
0x61: {  	s18 =	sadd.s32 $0x1, s18;
	s8 =	sadd.s32 $0x1, s19  }
0x62: {  	p1 =	sne.s32 s18, $0x4E;
	_ =	swait.ge [sflag:s8], $0x100  }
.Ltmp0:
0x63: {  	[sflag:s8] =	ssyncset.done $0x0;
	(pc) =	sbr.rel @p1 .LBB2_2-.Ltmp0, $4  }
0x64: {  	s20 =	sshll.u32 s19, $0x8;
	[sflag:s8] =	ssyncadd.s32 $0xFFFFFF00;
	s8 =	sadd.s32 $0x9, s19  }
0x65: {  	[spmem:s2] =	stream.indirect.scatter.add.f32 [tilespmem:s22], [sflag:s8], $0x1, s20, s21, $0xb8;
	[tilespmem:$0x1000] =	vst v63  }
0x66: {  	s15 =	sadd.s32 $0x20, s15;
	s19 =	sadd.s32 $0x11, s19;
	s20 =	sor.u32 $0x80, s20  }
0x67: {  	[spmem:s3] =	stream.indirect.scatter.add.f32 [tilespmem:s22], [sflag:s19], $0x1, s20, s21, $0xb8;
	[tilespmem:$0x1000] =	vst v63  }
0x68: {  	_ =	swait.ge [sflag:s23], $0x80  }
0x69: {  	[sflag:s23] =	ssyncset.done $0x0  }
0x6a: {  	[sflag:s23] =	ssyncadd.s32 $0xFFFFFF80  }
0x6b: {  	_ =	swait.ge [sflag:s24], $0x80  }
0x6c: {  	[sflag:s24] =	ssyncset.done $0x0  }
0x6d: {  	[sflag:s24] =	ssyncadd.s32 $0xFFFFFF80  }
0x6e: {  	_ =	swait.ge [sflag:s25], $0x80  }
0x6f: {  	[sflag:s25] =	ssyncset.done $0x0  }
0x70: {  	[sflag:s25] =	ssyncadd.s32 $0xFFFFFF80  }
0x71: {  	_ =	swait.ge [sflag:s26], $0x80  }
0x72: {  	[sflag:s26] =	ssyncset.done $0x0  }
0x73: {  	[sflag:s26] =	ssyncadd.s32 $0xFFFFFF80  }
0x74: {  	_ =	swait.ge [sflag:s28], $0x80  }
0x75: {  	[sflag:s28] =	ssyncset.done $0x0  }
0x76: {  	[sflag:s28] =	ssyncadd.s32 $0xFFFFFF80  }
0x77: {  	_ =	swait.ge [sflag:s29], $0x80  }
0x78: {  	[sflag:s29] =	ssyncset.done $0x0  }
0x79: {  	[sflag:s29] =	ssyncadd.s32 $0xFFFFFF80  }
0x7a: {  	_ =	swait.ge [sflag:s30], $0x80  }
0x7b: {  	[sflag:s30] =	ssyncset.done $0x0  }
0x7c: {  	[sflag:s30] =	ssyncadd.s32 $0xFFFFFF80  }
0x7d: {  	_ =	swait.ge [sflag:s31], $0x80  }
0x7e: {  	[sflag:s31] =	ssyncset.done $0x0  }
0x7f: {  	s8 =	simm.s32 @!p0 $0x0;
	s15 =	simm.s32 @!p0 $0x19;
	[sflag:s31] =	ssyncadd.s32 $0xFFFFFF80  }
0x80: {  	[tilespmem:s8], [sflag:$0x19] =	stream.linear.gather @!p0 [hbm4b:s11+s8], $0x100, $0x38;
	[tilespmem:$0x1000] =	vst v63  }
0x81: {  	_ =	swait.ge @!p0 [sflag:s15], $0x100  }
0x82: {  	[sflag:s15] =	ssyncset.done @!p0 $0x0  }
0x83: {  	s18 =	simm.s32 @!p0 $0x80;
	s19 =	simm.s32 @!p0 $0x800;
	[sflag:s15] =	ssyncadd.s32 @!p0 $0xFFFFFF00  }
0x84: {  	[spmem:s2] =	stream.indirect.scatter.add.f32 @!p0 [tilespmem:s19], [sflag:$0x19], $0x1, s8, s18, $0xb8;
	[tilespmem:$0x1000] =	vst v63  }
0x85: {  	_ =	swait.ge @!p0 [sflag:s15], $0x80  }
0x86: {  	[sflag:s15] =	ssyncset.done @!p0 $0x0  }
0x87: {  	[sflag:s15] =	ssyncadd.s32 @!p0 $0xFFFFFF80  }
0x88: {  	[spmem:s3] =	stream.indirect.scatter.add.f32 @!p0 [tilespmem:s19], [sflag:$0x19], $0x1, s18, s18, $0xb8;
	[tilespmem:$0x1000] =	vst v63  }
0x89: {  	_ =	swait.ge @!p0 [sflag:s15], $0x80  }
0x8a: {  	[sflag:s15] =	ssyncset.done @!p0 $0x0  }
0x8b: {  	[sflag:s15] =	ssyncadd.s32 @!p0 $0xFFFFFF80  }
0x8c: {  	[bflag:$0x0] =	sbarrier.arrive $0xFFFF  }
0x8d: {  	[tilespmem:s16], [sflag:$0x19] =	stream.linear.gather [spmem:s5], $0x280, $0x38;
	[tilespmem:$0x1000] =	vst v63  }
0x8e: {  	_ =	swait.ge [sflag:s17], $0x280  }
0x8f: {  	[sflag:s17] =	ssyncset.done $0x0  }
0x90: {  	[sflag:s17] =	ssyncadd.s32 $0xFFFFFD80  }
0x91: {  	[hbm4b:s12+s4] =	stream.linear.scatter [tilespmem:s16], [sflag:$0x19], $0x280, $0x38;
	[tilespmem:$0x1000] =	vst v63  }
0x92: {  	_ =	swait.ge [sflag:s17], $0x280  }
0x93: {  	[sflag:s17] =	ssyncset.done $0x0  }
0x94: {  	[sflag:s17] =	ssyncadd.s32 $0xFFFFFD80  }
0x95: {  	[tilespmem:s16], [sflag:$0x19] =	stream.linear.gather [spmem:s6], $0x280, $0x38;
	[tilespmem:$0x1000] =	vst v63  }
0x96: {  	s1 =	sadd.s32 $0x1, s1;
	_ =	swait.ge [sflag:s17], $0x280  }
0x97: {  	p1 =	sne.s32 s1, s14;
	[sflag:s17] =	ssyncset.done $0x0  }
.Ltmp1:
0x98: {  	[sflag:s17] =	ssyncadd.s32 $0xFFFFFD80;
	(pc) =	sbr.rel @p1 .LBB2_1-.Ltmp1, $4  }
0x99: {  	[hbm4b:s13+s4] =	stream.linear.scatter [tilespmem:s16], [sflag:$0x19], $0x280, $0x38;
	[tilespmem:$0x1000] =	vst v63  }
0x9a: {  	_ =	swait.ge [sflag:s17], $0x280  }
0x9b: {  	[sflag:s17] =	ssyncset.done $0x0  }
0x9c: {  	[sflag:s17] =	ssyncadd.s32 $0xFFFFFD80  }
0x9d: {  	_ =	sfence.sel $0x180000  }
0x9e: {  	[bflag:$0x0] =	sbarrier.arrive $0xFFFF  }
0x9f: {  	_ =	strace $0x90000047  }
0xa0: {  	s0 =	stileid.u32;
	[bflag:$0x2] =	sbarrier.arrive $0xFFFF  }
0xa1: {  	p0 =	sne.s32 s0, $0x0;
	s0 =	rddreg [dreg:$0x4]  }
0xa2: {  	s0 =	sadd.s32 @!p0 $0x100000, s0  }
0xa3: {  	[sflag:s0] =	ssyncadd.tile.s32 @!p0 $0x1;
	_ =	shalt  }
.Lfunc_end2:
_tile_overlayer_lowered:
.L_overlay_start_2:
0xa4: {  	(tag) =	ssettag $0x2  }
0xa5: {  	s0 =	rddreg [dreg:$0x0];
	s2 =	stileid.u32  }
0xa6: {  	s1 =	rddreg [dreg:$0x1];
	p0 =	sne.s32 s2, $0x0  }
0xa7: {  	s3 =	rddreg [dreg:$0x2];
	[bflag:$0x3] =	sbarrier.arrive $0xFFFF;
	s2 =	simm.s32 @!p0 $0x1C19  }
0xa8: {  	[timem:s3], [sflag:s2] =	dma.local @!p0 [hbm:s0], s1  }
0xa9: {  	s0 =	simm.s32 @!p0 $0x19  }
0xaa: {  	_ =	swait.ge @!p0 [sflag:s0], s1  }
0xab: {  	s1 =	ssub.s32 @!p0 $0x0, s1;
	[sflag:s0] =	ssyncset.done @!p0 $0x0  }
0xac: {  	[sflag:s0] =	ssyncadd.s32 @!p0 s1  }
0xad: {  	[bflag:$0x3] =	sbarrier.arrive $0xFFFF  }
0xae: {  	_ =	shalt  }

// kernel: kernel.9.cloned.1.call-start
scs
__scs_entry_jumppad:
0x0: {  	(pc) =	sbr.rel $0x88, $3  }
0x1: {  	(tag) =	ssettag $0x0;
	lr =	simm.s32 $0x1  }
0x2: {  	[smem:$0x3F9B] =	sst lr;
	_ =	strace $0xD0000000  }
0x3: {  	_ = 	snop  }
0x4: {  	_ = 	snop  }
0x5: {  	_ = 	snop  }
0x6: {  	_ = 	snop  }
0x7: {  	_ = 	snop  }
__scs_overlays_trampoline_lowered:
0x8: {  	[smem:$0x3FAA] =	sst s0  }
0x9: {  	[smem:$0x3FAB] =	sst s1  }
0xa: {  	[smem:$0x3FAC] =	sst s2  }
0xb: {  	[smem:$0x3FAD] =	sst s3  }
0xc: {  	[smem:$0x3FAE] =	sst s4  }
0xd: {  	[smem:$0x3FAF] =	sst s5  }
0xe: {  	[smem:$0x3FB0] =	sst s6  }
0xf: {  	[smem:$0x3FB1] =	sst s7  }
0x10: {  	[smem:$0x3FB2] =	sst s8  }
0x11: {  	[smem:$0x3FB3] =	sst s9;
	s0 =	simm.s32 @!p0 $0x0  }
0x12: {  	s1 =	sld [smem:$0x3F99];
	s0 =	simm.s32 @p0 $0x1  }
0x13: {  	[smem:$0x3FB4] =	sst s0;
	s0 =	simm.s32 @!p1 $0x0  }
0x14: {  	s2 =	sld [smem:$0x3F98];
	s0 =	simm.s32 @p1 $0x1  }
0x15: {  	[smem:$0x3FB5] =	sst s0;
	s0 =	simm.s32 @!p2 $0x0  }
0x16: {  	s3 =	sld [smem:$0x3FDB];
	s0 =	simm.s32 @p2 $0x1  }
0x17: {  	s4 =	simm.s32 $0x1BF5;
	[smem:$0x3FB7] =	sst s0  }
0x18: {  	s0 =	sld [smem:$0x3F9A];
	_ =	swait.ge [sflag:s4], $0x0  }
0x19: {  	s7 =	sld [smem:$0x3F9B]  }
0x1a: {  	s8 =	sadd.s32 $0xFFFFE003, lr  }
0x1b: {  	s9 =	sadd.s32 $0xFFFFFEF7, lr;
	s5 =	simm.s32 $0xFFFFFFFF;
	p2 =	slt.u32 s8, $0xFFFFF086  }
0x1c: {  	p1 =	slt.u32 s9, $0xF7A;
	s5 =	simm.s32 @!p2 $0x0  }
0x1d: {  	s5 =	simm.s32 @p1 $0x1;
	p0 =	seq.s32 s7, s2  }
0x1e: {  	s7 =	smul.u32 @!p0 $0xF7A, s2;
	p2 =	seq.s32 @!p0 s5, $0x0  }
0x1f: {  	s9 =	smul.u32 $0xF7A, s1;
	s8 =	simm.s32 @!p0 $0x1BF5;
	p2 =	por !p2, p0  }
0x20: {  	[sflag:s8] =	ssyncset.s32 @!p0 $0xFFFFF086;
	s6 =	sadd.s32 @!p0 s3, s7;
	s7 =	simm.s32 @!p0 $0x108  }
0x21: {  	s3 =	sadd.s32 s3, s9;
	s6 =	sadd.s32 @!p0 $0x88, s6;
	s7 =	simm.s32 @p2 $0x1082  }
0x22: {  	[simem:s7], [sflag:s8] =	dma.local @!p0 [hbm:s6], $0xF7A  }
0x23: {  	s9 =	sor.u32 $0xD0000000, s2;
	s6 =	simm.s32 $0x108;
	_ =	swait.ge @!p0 [sflag:s8], $0x0  }
0x24: {  	s3 =	sadd.s32 $0x88, s3;
	s6 =	simm.s32 @!p1 $0x1082;
	[sflag:s4] =	ssyncset.s32 $0xFFFFF086  }
0x25: {  	[simem:s6], [sflag:s4] =	dma.local [hbm:s3], $0xF7A  }
0x26: {  	[smem:$0x3F9B] =	sst s1;
	(tag) =	ssettag s2;
	_ =	strace s9  }
0x27: {  	s1 =	sld [smem:$0x3FAB]  }
0x28: {  	s2 =	sld [smem:$0x3FAC]  }
0x29: {  	s4 =	sld [smem:$0x3FAE]  }
0x2a: {  	p0 =	seq.s32 s5, $0x0;
	s5 =	sld [smem:$0x3FAF]  }
0x2b: {  	s6 =	sld [smem:$0x3FB0]  }
0x2c: {  	s7 =	sld [smem:$0x3FB1]  }
0x2d: {  	s3 =	simm.s32 $0x108;
	s8 =	sld [smem:$0x3FB2]  }
0x2e: {  	s3 =	simm.s32 @!p0 $0x1082;
	s9 =	sld [smem:$0x3FB3]  }
0x2f: {  	lr =	sadd.s32 s0, s3;
	s0 =	sld [smem:$0x3FAA]  }
0x30: {  	s3 =	sld [smem:$0x3FAD]  }
0x31: {  	[smem:$0x3FB6] =	sst s10  }
0x32: {  	s10 =	sld [smem:$0x3FB4];
	_ =	sdelay $0x3  }
0x33: {  	p0 =	seq.s32 s10, $0x1;
	s10 =	sld [smem:$0x3FB6];
	_ =	sdelay $0x3  }
0x34: {  	[smem:$0x3FB6] =	sst s10  }
0x35: {  	s10 =	sld [smem:$0x3FB5];
	_ =	sdelay $0x3  }
0x36: {  	p1 =	seq.s32 s10, $0x1;
	s10 =	sld [smem:$0x3FB6];
	_ =	sdelay $0x3  }
0x37: {  	[smem:$0x3FB6] =	sst s10  }
0x38: {  	s10 =	sld [smem:$0x3FB7]  }
0x39: {  	_ = 	snop;
	(pc) =	sbr.ind lr, $3  }
0x3a: {  	_ = 	snop  }
0x3b: {  	_ = 	snop  }
0x3c: {  	p2 =	seq.s32 s10, $0x1;
	s10 =	sld [smem:$0x3FB6]  }
0x3d: {  	_ =	shalt  }
0x3e: {  	_ =	shalt  }
0x3f: {  	_ =	shalt  }
0x40: {  	_ =	shalt  }
0x41: {  	_ =	shalt  }
0x42: {  	_ =	shalt  }
0x43: {  	_ =	shalt  }
0x44: {  	_ =	shalt  }
0x45: {  	_ =	shalt  }
0x46: {  	_ =	shalt  }
0x47: {  	_ =	shalt  }
0x48: {  	_ =	shalt  }
0x49: {  	_ =	shalt  }
0x4a: {  	_ =	shalt  }
0x4b: {  	_ =	shalt  }
0x4c: {  	_ =	shalt  }
0x4d: {  	_ =	shalt  }
0x4e: {  	_ =	shalt  }
0x4f: {  	_ =	shalt  }
0x50: {  	_ =	shalt  }
0x51: {  	_ =	shalt  }
0x52: {  	_ =	shalt  }
0x53: {  	_ =	shalt  }
0x54: {  	_ =	shalt  }
0x55: {  	_ =	shalt  }
0x56: {  	_ =	shalt  }
0x57: {  	_ =	shalt  }
0x58: {  	_ =	shalt  }
0x59: {  	_ =	shalt  }
0x5a: {  	_ =	shalt  }
0x5b: {  	_ =	shalt  }
0x5c: {  	_ =	shalt  }
0x5d: {  	_ =	shalt  }
0x5e: {  	_ =	shalt  }
0x5f: {  	_ =	shalt  }
0x60: {  	_ =	shalt  }
0x61: {  	_ =	shalt  }
0x62: {  	_ =	shalt  }
0x63: {  	_ =	shalt  }
0x64: {  	_ =	shalt  }
0x65: {  	_ =	shalt  }
0x66: {  	_ =	shalt  }
0x67: {  	_ =	shalt  }
0x68: {  	_ =	shalt  }
0x69: {  	_ =	shalt  }
0x6a: {  	_ =	shalt  }
0x6b: {  	_ =	shalt  }
0x6c: {  	_ =	shalt  }
0x6d: {  	_ =	shalt  }
0x6e: {  	_ =	shalt  }
0x6f: {  	_ =	shalt  }
0x70: {  	_ =	shalt  }
0x71: {  	_ =	shalt  }
0x72: {  	_ =	shalt  }
0x73: {  	_ =	shalt  }
0x74: {  	_ =	shalt  }
0x75: {  	_ =	shalt  }
0x76: {  	_ =	shalt  }
0x77: {  	_ =	shalt  }
0x78: {  	_ =	shalt  }
0x79: {  	_ =	shalt  }
0x7a: {  	_ =	shalt  }
0x7b: {  	_ =	shalt  }
0x7c: {  	_ =	shalt  }
0x7d: {  	_ =	shalt  }
0x7e: {  	_ =	shalt  }
0x7f: {  	_ =	shalt  }
0x80: {  	_ =	shalt  }
0x81: {  	_ =	shalt  }
0x82: {  	_ =	shalt  }
0x83: {  	_ =	shalt  }
0x84: {  	_ =	shalt  }
0x85: {  	_ =	shalt  }
0x86: {  	_ =	shalt  }
0x87: {  	_ =	shalt  }
.Lfunc_end0:
.L_simem_size_0:
called_computation.1_lowered:
.L_overlay_start_0:
0x88: {  	s2 =	sld [smem:$0x3FD9]  }
0x89: {  	s3 =	sld [smem:$0x3FFE];
	_ =	sdelay $0x1  }
0x8a: {  	s1 =	srdreg.scid  }
0x8b: {  	s0 =	sand.u32 $0x1, s1  }
0x8c: {  	s16 =	sshll.u32 s0, $0xA;
	s2 =	sadd.s32 s3, s2  }
0x8d: {  	s2 =	sadd.s32 s2, s16  }
0x8e: {  	[smem:$0x3FC2] =	sst s2  }
0x8f: {  	_ = 	snop  }
0x90: {  	(tm) =	ssettm $0x1  }
0x91: {  	s17 =	sld [smem:$0x3FFB];
	_ =	sdelay $0x3  }
0x92: {  	_ =	strace s17  }
0x93: {  	s2 =	sld [smem:$0x3FFC];
	_ =	sdelay $0x3  }
0x94: {  	_ =	strace s2  }
0x95: {  	s2 =	sld [smem:$0x3FFD];
	_ =	sdelay $0x3  }
0x96: {  	_ =	strace s2  }
0x97: {  	_ =	strace $0x8FFFFFFF  }
0x98: {  	s18 =	sld [smem:$0x3FDB];
	_ =	sdelay $0x1  }
0x99: {  	s19 =	simm.s32 $_scs_section_size  }
0x9a: {  	s4 =	simm.s32 $_size__tile_overlayer_lowered;
	s5 =	simm.s32 $_tile_overlayer_lowered  }
0x9b: {  	s22 =	simm.s32 $0x1BFF;
	s21 =	sshll.u32 s5, $0x1;
	s2 =	sadd.s32 s19, s18  }
0x9c: {  	s6 =	simm.s32 $0x0;
	s20 =	sshll.u32 s4, $0x1;
	s4 =	sadd.s32 s21, s2  }
0x9d: {  	[timem:s6], [sflag:s22] =	dma.local [hbm:s4], s20  }
0x9e: {  	_ =	swait.ge [sflag:s22], s20  }
0x9f: {  	s3 =	ssub.s32 $0x0, s20;
	[sflag:s22] =	ssyncset.done $0x0  }
0xa0: {  	[sflag:s22] =	ssyncadd.s32 s3;
	_ =	sdelay $0x1  }
0xa1: {  	s23 =	simm.s32 $0x1B8B  }
0xa2: {  	_ =	swait.ge [sflag:s23], $0x1  }
0xa3: {  	[sflag:s23] =	ssyncset.done $0x0  }
0xa4: {  	s25 =	simm.s32 $0x1B8E;
	s24 =	sld [smem:$0x3FFE];
	[sflag:s23] =	ssyncadd.s32 $0xFFFFFFFF  }
0xa5: {  	s26 =	simm.s32 $execute0_lowered;
	[smem:$0x3FD2] =	sst s25  }
0xa6: {  	s4 =	sshll.u32 s26, $0x1;
	_ =	strace $0x80000049;
	[dreg:$0x1] =	wrdreg $0xFFFFFFFF  }
0xa7: {  	s28 =	simm.s32 $_size_execute0_lowered;
	s2 =	sadd.s32 s2, s4;
	[dreg:$0x0] =	wrdreg $0x0  }
0xa8: {  	s4 =	sshll.u32 s28, $0x1;
	[dreg:$0x2] =	wrdreg s2  }
0xa9: {  	[dreg:$0x3] =	wrdreg s4  }
0xaa: {  	[dreg:$0x4] =	wrdreg $0xC0  }
0xab: {  	_ =	task [dreg:s6], $0x5FFFF  }
0xac: {  	[dreg:$0x1] =	wrdreg $0xFFFFFFFF  }
0xad: {  	[dreg:$0x0] =	wrdreg $0x60  }
0xae: {  	[dreg:$0x2] =	wrdreg s24  }
0xaf: {  	[dreg:$0x3] =	wrdreg $0x9A000  }
0xb0: {  	[dreg:$0x4] =	wrdreg $0x1DA000  }
0xb1: {  	[dreg:$0x5] =	wrdreg $0x9  }
0xb2: {  	_ =	task.clear_ibuf [dreg:s6], $0x6FFFF;
	_ =	strace $0x90000049  }
0xb3: {  	s29 =	simm.s32 $0x9;
	_ =	strace $0x8000004B  }
0xb4: {  	_ =	swait.ge [sflag:s29], $0x1  }
0xb5: {  	[sflag:s29] =	ssyncadd.s32 $0xFFFFFFFF  }
0xb6: {  	_ =	strace $0x9000004B  }
0xb7: {  	_ =	sfence  }
0xb8: {  	s30 =	sld [smem:$0x0];
	_ =	sdelay $0x2  }
0xb9: {  	s31 =	sshll.u32 s1, $0xD;
	s1 =	sshrl.u32 s1, $0x2  }
0xba: {  	s3 =	sand.u32 $0x4000, s31;
	s1 =	sadd.s32 s1, s30  }
0xbb: {  	s0 =	sor.u32 s3, s0;
	s1 =	sshll.u32 s1, $0x11  }
0xbc: {  	s0 =	sor.u32 s1, s0  }
0xbd: {  	s0 =	sadd.s32 $0x8F2B, s0  }
0xbe: {  	[sflag:s0] =	ssyncadd.remote.s32 $0x1  }
0xbf: {  	_ =	sfence.sel $0xFFFF  }
0xc0: {  	[dreg:$0x0] =	wrdreg $0xFFFFFFFF;
	(pc) =	sbr.abs _section_cstart, $3  }
0xc1: {  	[dreg:$0x1] =	wrdreg $0xFFFFFFFF  }
0xc2: {  	_ =	task.clear_ibuf [dreg:s6], $0x2FFFF;
	_ =	strace $0x9FFFFFFF  }
0xc3: {  	(tm) =	ssettm $0x7FFFFFFF  }
tec
execute0_lowered:
.L_overlay_start_1:
0x0: {  	(tag) =	ssettag $0x1  }
0x1: {  	s0 =	rddreg [dreg:$0x0]  }
0x2: {  	s2 =	rddreg [dreg:$0x1];
	s1 =	srdreg.scid  }
0x3: {  	s3 =	rddreg [dreg:$0x2];
	s15 =	stileid.u32  }
0x4: {  	s4 =	simm.s32 $0x0;
	s30 =	simm.s32 $0x2000;
	s8 =	smul.u32 $0x14000, s15  }
0x5: {  	s31 =	simm.s32 $0xD;
	s1 =	sand.u32 $0x1, s1;
	s9 =	smul.u32 $0x280, s15  }
0x6: {  	[smem:$0x7FF] =	sst s4;
	s5 =	sadd.s32 $0x4600, s0;
	s14 =	smul.u32 $0x50000, s15  }
0x7: {  	s6 =	sadd.s32 $0x2C600, s0;
	s13 =	sshll.u32 s15, $0x1;
	s7 =	smul.u32 $0x140000, s1  }
0x8: {  	_ =	strace $0x8000004A;
	s10 =	smul.u32 $0x2800, s1;
	s16 =	ssub.s32 $0x2, s1  }
0x9: {  	s1 =	sor.u32 s1, s13;
	s12 =	sshrl.u32 s16, $0x1;
	s17 =	sshrl.u32 s14, $0x2  }
0xa: {  	s18 =	sor.u32 $0x50, s9;
	s20 =	sadd.s32 s9, s3;
	s21 =	sadd.s32 $0xA0, s9  }
0xb: {  	s23 =	sadd.s32 $0xF0, s9;
	s25 =	sadd.s32 $0x140, s9;
	s26 =	sadd.s32 $0x190, s9  }
0xc: {  	s8 =	sadd.s32 s8, s7;
	s7 =	sadd.s32 $0x3200, s0;
	s10 =	sadd.s32 s9, s10  }
0xd: {  	s19 =	sshll.u32 s18, $0x7;
	[dreg:$0x5] =	wrdreg s20;
	s22 =	sshll.u32 s21, $0x7  }
0xe: {  	s24 =	sshll.u32 s23, $0x7;
	s13 =	sadd.s32 s23, s3;
	s14 =	sshll.u32 s25, $0x7  }
0xf: {  	s8 =	sshrl.u32 s8, $0x3;
	s10 =	sshrl.u32 s10, $0x3;
	[dreg:$0xb] =	wrdreg s13  }
0x10: {  	s13 =	sadd.s32 s14, s2;
	s14 =	simm.s32 $0xA;
	s11 =	sadd.s32 s8, s0  }
0x11: {  	s0 =	sadd.s32 s10, s0;
	s10 =	ssub.s32 s16, s12;
	s8 =	smul.u32 $0x5000, s1  }
0x12: {  	s1 =	sadd.s32 s19, s2;
	s12 =	sadd.s32 s18, s3;
	s16 =	sshll.u32 s26, $0x7  }
0x13: {  	[dreg:$0xc] =	wrdreg s13;
	s18 =	sadd.s32 s26, s3;
	s19 =	sadd.s32 $0x1E0, s9  }
0x14: {  	s9 =	sadd.s32 $0x230, s9;
	s13 =	simm.s32 $0x7;
	[dreg:$0x6] =	wrdreg s1  }
0x15: {  	s10 =	smax.u32 s10, $0x1;
	[dreg:$0x7] =	wrdreg s12;
	s12 =	sadd.s32 s22, s2  }
0x16: {  	s1 =	sadd.s32 s21, s3;
	[dreg:$0xf] =	wrdreg s18;
	s20 =	sshll.u32 s19, $0x7  }
0x17: {  	s21 =	sshll.u32 s9, $0x7;
	s22 =	smul.u32 $0xA00, s15;
	[dreg:$0x4] =	wrdreg s10  }
0x18: {  	s26 =	sadd.s32 $0x54600, s11;
	s29 =	sadd.s32 $0x3800, s0;
	[dreg:$0x8] =	wrdreg s12  }
0x19: {  	s0 =	simm.s32 $0x9800;
	[dreg:$0x9] =	wrdreg s1;
	s1 =	sadd.s32 s24, s2  }
0x1a: {  	s10 =	sadd.s32 s17, s2;
	s17 =	sadd.s32 s16, s2;
	[dreg:$0xa] =	wrdreg s1  }
0x1b: {  	s11 =	simm.s32 $0x9;
	s12 =	sadd.s32 s20, s2;
	[dreg:$0xe] =	wrdreg s17  }
0x1c: {  	s15 =	simm.s32 $0x0;
	s23 =	sadd.s32 s21, s2;
	[dreg:$0x10] =	wrdreg s12  }
0x1d: {  	s24 =	sadd.s32 s9, s3;
	s9 =	simm.s32 $0x50;
	[dreg:$0x12] =	wrdreg s23  }
0x1e: {  	s1 =	sadd.s32 s25, s3;
	[dreg:$0x13] =	wrdreg s24;
	s25 =	sshrl.u32 s22, $0x2  }
0x1f: {  	s12 =	simm.s32 $0xC;
	[dreg:$0xd] =	wrdreg s1;
	s1 =	sadd.s32 s19, s3  }
0x20: {  	v0 =	vimm.f32 $0.0e+00;
	s28 =	sadd.s32 s25, s3;
	[dreg:$0x11] =	wrdreg s1;
	s1 =	simm.s32 $0x1000  }
.LBB2_1:
0x21: {  	s16 =	sand.u32 $0xFE00, s4  }
0x22: {  	s17 =	sand.u32 $0x70, s4;
	s18 =	sshrl.u32 s16, $0x2  }
0x23: {  	s16 =	simm.s32 $0x40;
	s18 =	sor.u32 s17, s18;
	s17 =	simm.s32 $0x0  }
.LBB2_2:
0x24: {  	p0 =	sne.s32 s16, $0x9FC0  }
0x25: {  	[tilespmem:s18+$0x2000] =	vst v0;
	s17 =	sadd.s32 $0x10, s17;
	s18 =	smov.u32 s16;
	s16 =	sadd.s32 $0x40, s16  }
.Ltmp0:
0x26: {  	(pc) =	sbr.rel @p0 .LBB2_2-.Ltmp0, $4  }
0x27: {  	_ = 	snop  }
0x28: {  	s18 =	sand.u32 $0xFE00, s18  }
0x29: {  	s19 =	sand.u32 $0x70, s17;
	s18 =	sshrl.u32 s18, $0x2  }
0x2a: {  	s18 =	sor.u32 s19, s18  }
0x2b: {  	[tilespmem:s18+$0x2000] =	vst v0  }
0x2c: {  	[tilespmem:$0x9800] =	vst v0  }
0x2d: {  	[tilespmem:$0x9810] =	vst v0  }
0x2e: {  	[tilespmem:$0x9820] =	vst v0  }
0x2f: {  	[tilespmem:$0x9830] =	vst v0  }
0x30: {  	[tilespmem:$0x9840] =	vst v0  }
0x31: {  	[spmem:s10] =	stream.linear.scatter [tilespmem:s30], [sflag:$0xD], $0x2800, $0x38;
	[tilespmem:$0x1DC80] =	vst v63  }
0x32: {  	_ =	swait.ge [sflag:s31], $0x2800  }
0x33: {  	[sflag:s31] =	ssyncset.done $0x0  }
0x34: {  	s16 =	rddreg [dreg:$0x5];
	[sflag:s31] =	ssyncadd.s32 $0xFFFFD800  }
0x35: {  	[spmem:s16] =	stream.linear.scatter [tilespmem:s0], [sflag:$0xD], $0x50, $0x38;
	[tilespmem:$0x1DC80] =	vst v63  }
0x36: {  	_ =	swait.ge [sflag:s31], $0x50  }
0x37: {  	[sflag:s31] =	ssyncset.done $0x0  }
0x38: {  	s21 =	rddreg [dreg:$0x6];
	[sflag:s31] =	ssyncadd.s32 $0xFFFFFFB0  }
0x39: {  	[spmem:s21] =	stream.linear.scatter [tilespmem:s30], [sflag:$0xD], $0x2800, $0x38;
	[tilespmem:$0x1DC80] =	vst v63  }
0x3a: {  	_ =	swait.ge [sflag:s31], $0x2800  }
0x3b: {  	[sflag:s31] =	ssyncset.done $0x0  }
0x3c: {  	s22 =	rddreg [dreg:$0x7];
	[sflag:s31] =	ssyncadd.s32 $0xFFFFD800  }
0x3d: {  	[spmem:s22] =	stream.linear.scatter [tilespmem:s0], [sflag:$0xD], $0x50, $0x38;
	[tilespmem:$0x1DC80] =	vst v63  }
0x3e: {  	_ =	swait.ge [sflag:s31], $0x50  }
0x3f: {  	[sflag:s31] =	ssyncset.done $0x0  }
0x40: {  	s23 =	rddreg [dreg:$0x8];
	[sflag:s31] =	ssyncadd.s32 $0xFFFFFFB0  }
0x41: {  	[spmem:s23] =	stream.linear.scatter [tilespmem:s30], [sflag:$0xD], $0x2800, $0x38;
	[tilespmem:$0x1DC80] =	vst v63  }
0x42: {  	_ =	swait.ge [sflag:s31], $0x2800  }
0x43: {  	[sflag:s31] =	ssyncset.done $0x0  }
0x44: {  	s24 =	rddreg [dreg:$0x9];
	[sflag:s31] =	ssyncadd.s32 $0xFFFFD800  }
0x45: {  	[spmem:s24] =	stream.linear.scatter [tilespmem:s0], [sflag:$0xD], $0x50, $0x38;
	[tilespmem:$0x1DC80] =	vst v63  }
0x46: {  	_ =	swait.ge [sflag:s31], $0x50  }
0x47: {  	[sflag:s31] =	ssyncset.done $0x0  }
0x48: {  	s25 =	rddreg [dreg:$0xa];
	[sflag:s31] =	ssyncadd.s32 $0xFFFFFFB0  }
0x49: {  	[spmem:s25] =	stream.linear.scatter [tilespmem:s30], [sflag:$0xD], $0x2800, $0x38;
	[tilespmem:$0x1DC80] =	vst v63  }
0x4a: {  	_ =	swait.ge [sflag:s31], $0x2800  }
0x4b: {  	[sflag:s31] =	ssyncset.done $0x0  }
0x4c: {  	s17 =	rddreg [dreg:$0xb];
	[sflag:s31] =	ssyncadd.s32 $0xFFFFD800  }
0x4d: {  	[spmem:s17] =	stream.linear.scatter [tilespmem:s0], [sflag:$0xD], $0x50, $0x38;
	[tilespmem:$0x1DC80] =	vst v63  }
0x4e: {  	_ =	swait.ge [sflag:s31], $0x50  }
0x4f: {  	[sflag:s31] =	ssyncset.done $0x0  }
0x50: {  	s18 =	rddreg [dreg:$0xc];
	[sflag:s31] =	ssyncadd.s32 $0xFFFFFFB0  }
0x51: {  	[spmem:s18] =	stream.linear.scatter [tilespmem:s30], [sflag:$0xD], $0x2800, $0x38;
	[tilespmem:$0x1DC80] =	vst v63  }
0x52: {  	_ =	swait.ge [sflag:s31], $0x2800  }
0x53: {  	[sflag:s31] =	ssyncset.done $0x0  }
0x54: {  	s19 =	rddreg [dreg:$0xd];
	[sflag:s31] =	ssyncadd.s32 $0xFFFFD800  }
0x55: {  	[spmem:s19] =	stream.linear.scatter [tilespmem:s0], [sflag:$0xD], $0x50, $0x38;
	[tilespmem:$0x1DC80] =	vst v63  }
0x56: {  	_ =	swait.ge [sflag:s31], $0x50  }
0x57: {  	[sflag:s31] =	ssyncset.done $0x0  }
0x58: {  	s20 =	rddreg [dreg:$0xe];
	[sflag:s31] =	ssyncadd.s32 $0xFFFFFFB0  }
0x59: {  	[spmem:s20] =	stream.linear.scatter [tilespmem:s30], [sflag:$0xD], $0x2800, $0x38;
	[tilespmem:$0x1DC80] =	vst v63  }
0x5a: {  	_ =	swait.ge [sflag:s31], $0x2800  }
0x5b: {  	[sflag:s31] =	ssyncset.done $0x0  }
0x5c: {  	s21 =	rddreg [dreg:$0xf];
	[sflag:s31] =	ssyncadd.s32 $0xFFFFD800  }
0x5d: {  	[spmem:s21] =	stream.linear.scatter [tilespmem:s0], [sflag:$0xD], $0x50, $0x38;
	[tilespmem:$0x1DC80] =	vst v63  }
0x5e: {  	_ =	swait.ge [sflag:s31], $0x50  }
0x5f: {  	[sflag:s31] =	ssyncset.done $0x0  }
0x60: {  	s22 =	rddreg [dreg:$0x10];
	[sflag:s31] =	ssyncadd.s32 $0xFFFFFFB0  }
0x61: {  	[spmem:s22] =	stream.linear.scatter [tilespmem:s30], [sflag:$0xD], $0x2800, $0x38;
	[tilespmem:$0x1DC80] =	vst v63  }
0x62: {  	_ =	swait.ge [sflag:s31], $0x2800  }
0x63: {  	[sflag:s31] =	ssyncset.done $0x0  }
0x64: {  	s23 =	rddreg [dreg:$0x11];
	[sflag:s31] =	ssyncadd.s32 $0xFFFFD800  }
0x65: {  	[spmem:s23] =	stream.linear.scatter [tilespmem:s0], [sflag:$0xD], $0x50, $0x38;
	[tilespmem:$0x1DC80] =	vst v63  }
0x66: {  	_ =	swait.ge [sflag:s31], $0x50  }
0x67: {  	[sflag:s31] =	ssyncset.done $0x0  }
0x68: {  	s24 =	rddreg [dreg:$0x12];
	[sflag:s31] =	ssyncadd.s32 $0xFFFFFFB0  }
0x69: {  	[spmem:s24] =	stream.linear.scatter [tilespmem:s30], [sflag:$0xD], $0x2800, $0x38;
	[tilespmem:$0x1DC80] =	vst v63  }
0x6a: {  	_ =	swait.ge [sflag:s31], $0x2800  }
0x6b: {  	[sflag:s31] =	ssyncset.done $0x0  }
0x6c: {  	s25 =	rddreg [dreg:$0x13];
	[sflag:s31] =	ssyncadd.s32 $0xFFFFD800  }
0x6d: {  	[spmem:s25] =	stream.linear.scatter [tilespmem:s0], [sflag:$0xD], $0x50, $0x38;
	[tilespmem:$0x1DC80] =	vst v63  }
0x6e: {  	_ =	swait.ge [sflag:s31], $0x50  }
0x6f: {  	[sflag:s31] =	ssyncset.done $0x0  }
0x70: {  	[sflag:s31] =	ssyncadd.s32 $0xFFFFFFB0  }
0x71: {  	s16 =	simm.s32 $0x0;
	s17 =	simm.s32 $0x0;
	[bflag:$0x0] =	sbarrier.arrive $0xFFFF  }
.LBB2_4:
0x72: {  	s18 =	sshll.u32 s17, $0xC  }
0x73: {  	s18 =	sadd.s32 s8, s18  }
0x74: {  	s18 =	sshrl.u32 s18, $0x3  }
0x75: {  	s18 =	sadd.s32 s5, s18  }
0x76: {  	[tilespmem:s16], [sflag:$0xD] =	stream.linear.gather [hbm4b:s18+s16], $0xC80, $0x38;
	[tilespmem:$0x1DC80] =	vst v63  }
0x77: {  	_ =	swait.ge [sflag:s31], $0xC80  }
0x78: {  	[sflag:s31] =	ssyncset.done $0x0  }
0x79: {  	s18 =	sadd.s32 $0x14000, s18;
	[sflag:s31] =	ssyncadd.s32 $0xFFFFF380  }
0x7a: {  	[tilespmem:s1], [sflag:$0xD] =	stream.linear.gather [hbm4b:s18+s16], $0xC80, $0x38;
	[tilespmem:$0x1DC80] =	vst v63  }
0x7b: {  	_ =	swait.ge [sflag:s31], $0xC80  }
0x7c: {  	[sflag:s31] =	ssyncset.done $0x0  }
0x7d: {  	[sflag:s31] =	ssyncadd.s32 $0xFFFFF380  }
0x7e: {  	[tilespmem:s30], [sflag:$0x1] =	stream.indirect.gather [hbm4b:s6+s9], $0x80, s16, s9, $0xb8;
	[tilespmem:$0x1DC80] =	vst v63  }
0x7f: {  	s19 =	simm.s32 $0x0;
	s18 =	simm.s32 $0x1  }
0x80: {  	[tilespmem:s0], [sflag:$0x4] =	stream.indirect.gather [hbm4b:s7+s9], $0x1, s1, s9, $0xb8;
	[tilespmem:$0x1DC80] =	vst v63  }
.LBB2_5:
0x81: {  	s20 =	smul.u32 $0xAB, s18;
	_ =	sdelay $0x1  }
0x82: {  	s20 =	sshrl.u32 s20, $0x9  }
0x83: {  	s20 =	sand.u32 $0x7F, s20  }
0x84: {  	s21 =	smul.u32 $0x3, s20;
	_ =	sdelay $0x1  }
0x85: {  	s20 =	sadd.s32 $0xFFFFFFFF, s18;
	s21 =	ssub.s32 s18, s21  }
0x86: {  	p0 =	slt.u32 s20, $0x2;
	s21 =	sand.u32 $0xFF, s21  }
0x87: {  	s22 =	sadd.s32 @!p0 $0x7, s21  }
0x88: {  	_ =	swait.ge @!p0 [sflag:s22], $0x2800  }
0x89: {  	[sflag:s22] =	ssyncset.done @!p0 $0x0  }
0x8a: {  	[sflag:s22] =	ssyncadd.s32 @!p0 $0xFFFFD800;
	s22 =	sadd.s32 @!p0 $0xA, s21  }
0x8b: {  	p1 =	seq.s32 @!p0 s19, $0x3000;
	_ =	swait.ge @!p0 [sflag:s22], $0x50  }
0x8c: {  	p1 =	por p0, !p1;
	[sflag:s22] =	ssyncset.done @!p0 $0x0  }
0x8d: {  	[sflag:s22] =	ssyncadd.s32 @!p0 $0xFFFFFFB0;
	s22 =	smul.u32 @p1 $0xA000, s21;
	_ =	sdelay $0x1  }
0x8e: {  	s23 =	sshra.s32 @p1 s19, $0x2;
	s22 =	sshrl.u32 @p1 s22, $0x2  }
0x8f: {  	s25 =	sadd.s32 @p1 $0x1, s21;
	s24 =	sadd.s32 @p1 $0x80, s23;
	s22 =	sadd.s32 @p1 $0x2000, s22  }
0x90: {  	[tilespmem:s22], [sflag:s25] =	stream.indirect.gather @p1 [hbm4b:s6+s9], $0x80, s24, s9, $0xb8;
	[tilespmem:$0x1DC80] =	vst v63  }
0x91: {  	s22 =	sshll.u32 @p1 s21, $0x7  }
0x92: {  	s23 =	sadd.s32 @p1 $0x1080, s23;
	s21 =	sadd.s32 @p1 $0x4, s21;
	s22 =	sadd.s32 @p1 $0x9800, s22  }
0x93: {  	[tilespmem:s22], [sflag:s21] =	stream.indirect.gather @p1 [hbm4b:s7+s9], $0x1, s23, s9, $0xb8;
	[tilespmem:$0x1DC80] =	vst v63  }
0x94: {  	s22 =	smul.u32 $0xAB, s20;
	_ =	sdelay $0x1  }
0x95: {  	s21 =	sshrl.u32 s22, $0x9  }
0x96: {  	s21 =	sand.u32 $0x7F, s21  }
0x97: {  	s21 =	smul.u32 $0x3, s21;
	_ =	sdelay $0x1  }
0x98: {  	s20 =	ssub.s32 s20, s21  }
0x99: {  	s20 =	sand.u32 $0xFF, s20  }
0x9a: {  	s23 =	sadd.s32 $0x1, s20;
	s24 =	smul.u32 $0xA000, s20  }
0x9b: {  	_ =	swait.ge [sflag:s23], $0x2800  }
0x9c: {  	s25 =	sor.u32 $0x4, s20;
	[sflag:s23] =	ssyncset.done $0x0;
	s22 =	sshrl.u32 s24, $0x2  }
0x9d: {  	s24 =	sshra.s32 s19, $0x2;
	s19 =	sadd.s32 $0x200, s19;
	[sflag:s23] =	ssyncadd.s32 $0xFFFFD800  }
0x9e: {  	s22 =	sadd.s32 $0x2000, s22;
	p0 =	sne.s32 s19, $0x3200;
	_ =	swait.ge [sflag:s25], $0x50  }
.Ltmp1:
0x9f: {  	s23 =	sshll.u32 s20, $0x7;
	[sflag:s25] =	ssyncset.done $0x0;
	(pc) =	sbr.rel @p0 .LBB2_5-.Ltmp1, $4  }
0xa0: {  	s21 =	sadd.s32 $0x1000, s24;
	[sflag:s25] =	ssyncadd.s32 $0xFFFFFFB0;
	s25 =	sadd.s32 $0x7, s20  }
0xa1: {  	[spmem:s2] =	stream.indirect.scatter.add.f32 [tilespmem:s22], [sflag:s25], $0x80, s21, s9, $0xb8;
	[tilespmem:$0x1DC80] =	vst v63  }
0xa2: {  	s18 =	sadd.s32 $0x1, s18;
	s20 =	sadd.s32 $0xA, s20;
	s25 =	sor.u32 $0x9800, s23  }
0xa3: {  	[spmem:s3] =	stream.indirect.scatter.add.f32 [tilespmem:s25], [sflag:s20], $0x1, s24, s9, $0xb8;
	[tilespmem:$0x1DC80] =	vst v63  }
0xa4: {  	_ =	swait.ge [sflag:s11], $0x2800  }
0xa5: {  	[sflag:s11] =	ssyncset.done $0x0  }
0xa6: {  	[sflag:s11] =	ssyncadd.s32 $0xFFFFD800  }
0xa7: {  	_ =	swait.ge [sflag:s12], $0x50  }
0xa8: {  	[sflag:s12] =	ssyncset.done $0x0  }
0xa9: {  	s17 =	sadd.s32 $0x1, s17;
	[sflag:s12] =	ssyncadd.s32 $0xFFFFFFB0  }
0xaa: {  	p0 =	sne.s32 s17, $0x5;
	_ =	swait.ge [sflag:s13], $0x2800  }
.Ltmp2:
0xab: {  	[sflag:s13] =	ssyncset.done $0x0;
	(pc) =	sbr.rel @p0 .LBB2_4-.Ltmp2, $4  }
0xac: {  	[sflag:s13] =	ssyncadd.s32 $0xFFFFD800  }
0xad: {  	_ =	swait.ge [sflag:s14], $0x50  }
0xae: {  	[sflag:s14] =	ssyncset.done $0x0  }
0xaf: {  	[sflag:s14] =	ssyncadd.s32 $0xFFFFFFB0  }
0xb0: {  	[bflag:$0x0] =	sbarrier.arrive $0xFFFF  }
0xb1: {  	[tilespmem:s30], [sflag:$0xD] =	stream.linear.gather [spmem:s10], $0x2800, $0x38;
	[tilespmem:$0x1DC80] =	vst v63  }
0xb2: {  	_ =	swait.ge [sflag:s31], $0x2800  }
0xb3: {  	[sflag:s31] =	ssyncset.done $0x0  }
0xb4: {  	[sflag:s31] =	ssyncadd.s32 $0xFFFFD800  }
0xb5: {  	[hbm4b:s26+s4] =	stream.linear.scatter [tilespmem:s30], [sflag:$0xD], $0x2800, $0x38;
	[tilespmem:$0x1DC80] =	vst v63  }
0xb6: {  	_ =	swait.ge [sflag:s31], $0x2800  }
0xb7: {  	[sflag:s31] =	ssyncset.done $0x0  }
0xb8: {  	[sflag:s31] =	ssyncadd.s32 $0xFFFFD800  }
0xb9: {  	[tilespmem:s0], [sflag:$0xD] =	stream.linear.gather [spmem:s28], $0x50, $0x38;
	[tilespmem:$0x1DC80] =	vst v63  }
0xba: {  	_ =	swait.ge [sflag:s31], $0x50  }
0xbb: {  	[sflag:s31] =	ssyncset.done $0x0  }
0xbc: {  	s16 =	sadd.s32 $0x0, s29;
	[sflag:s31] =	ssyncadd.s32 $0xFFFFFFB0  }
0xbd: {  	[hbm4b:s16+s4] =	stream.linear.scatter [tilespmem:s0], [sflag:$0xD], $0x50, $0x38;
	[tilespmem:$0x1DC80] =	vst v63  }
0xbe: {  	s17 =	sadd.s32 $0x50, s28;
	s18 =	smov.u32 s26;
	_ =	swait.ge [sflag:s31], $0x50  }
0xbf: {  	s19 =	smov.u32 s10;
	s16 =	simm.s32 $0xA;
	[sflag:s31] =	ssyncset.done $0x0  }
.LBB2_8:
0xc0: {  	[sflag:s31] =	ssyncadd.s32 $0xFFFFFFB0  }
0xc1: {  	s18 =	sadd.s32 $0x500, s18;
	s19 =	sadd.s32 $0x2800, s19;
	s20 =	smov.u32 s16  }
0xc2: {  	[tilespmem:s30], [sflag:$0xD] =	stream.linear.gather [spmem:s19], $0x2800, $0x38;
	[tilespmem:$0x1DC80] =	vst v63  }
0xc3: {  	p0 =	sne.s32 s16, $0x46;
	s16 =	sadd.s32 $0xA, s16;
	_ =	swait.ge [sflag:s31], $0x2800  }
0xc4: {  	[sflag:s31] =	ssyncset.done $0x0  }
0xc5: {  	[sflag:s31] =	ssyncadd.s32 $0xFFFFD800  }
0xc6: {  	[hbm4b:s18+s4] =	stream.linear.scatter [tilespmem:s30], [sflag:$0xD], $0x2800, $0x38;
	[tilespmem:$0x1DC80] =	vst v63  }
0xc7: {  	_ =	swait.ge [sflag:s31], $0x2800  }
0xc8: {  	[sflag:s31] =	ssyncset.done $0x0  }
0xc9: {  	[sflag:s31] =	ssyncadd.s32 $0xFFFFD800  }
0xca: {  	[tilespmem:s0], [sflag:$0xD] =	stream.linear.gather [spmem:s17], $0x50, $0x38;
	[tilespmem:$0x1DC80] =	vst v63  }
0xcb: {  	_ =	swait.ge [sflag:s31], $0x50  }
.Ltmp3:
0xcc: {  	[sflag:s31] =	ssyncset.done $0x0;
	(pc) =	sbr.rel @p0 .LBB2_8-.Ltmp3, $4  }
0xcd: {  	s20 =	sadd.s32 s20, s29;
	[sflag:s31] =	ssyncadd.s32 $0xFFFFFFB0  }
0xce: {  	[hbm4b:s20+s4] =	stream.linear.scatter [tilespmem:s0], [sflag:$0xD], $0x50, $0x38;
	[tilespmem:$0x1DC80] =	vst v63  }
0xcf: {  	_ =	swait.ge [sflag:s31], $0x50  }
0xd0: {  	s17 =	sadd.s32 $0x50, s17;
	[sflag:s31] =	ssyncset.done $0x0  }
0xd1: {  	s15 =	sadd.s32 $0x1, s15;
	s16 =	rddreg [dreg:$0x4]  }
0xd2: {  	p0 =	sne.s32 s15, s16  }
.Ltmp4:
0xd3: {  	_ = 	snop;
	(pc) =	sbr.rel @p0 .LBB2_1-.Ltmp4, $2  }
0xd4: {  	_ =	sdelay $0x2  }
0xd5: {  	[sflag:s31] =	ssyncadd.s32 $0xFFFFFFB0  }
0xd6: {  	_ =	sfence.sel $0x180000  }
0xd7: {  	[bflag:$0x0] =	sbarrier.arrive $0xFFFF  }
0xd8: {  	_ =	strace $0x9000004A  }
0xd9: {  	s0 =	stileid.u32;
	[bflag:$0x2] =	sbarrier.arrive $0xFFFF  }
0xda: {  	p0 =	sne.s32 s0, $0x0;
	s0 =	rddreg [dreg:$0x3]  }
0xdb: {  	s0 =	sadd.s32 @!p0 $0x100000, s0  }
0xdc: {  	[sflag:s0] =	ssyncadd.tile.s32 @!p0 $0x1;
	_ =	shalt  }
.Lfunc_end2:
_tile_overlayer_lowered:
.L_overlay_start_2:
0xdd: {  	(tag) =	ssettag $0x2  }
0xde: {  	s0 =	rddreg [dreg:$0x0];
	s2 =	stileid.u32  }
0xdf: {  	s1 =	rddreg [dreg:$0x1];
	p0 =	sne.s32 s2, $0x0  }
0xe0: {  	s3 =	rddreg [dreg:$0x2];
	[bflag:$0x3] =	sbarrier.arrive $0xFFFF;
	s2 =	simm.s32 @!p0 $0x1C0D  }
0xe1: {  	[timem:s3], [sflag:s2] =	dma.local @!p0 [hbm:s0], s1  }
0xe2: {  	s0 =	simm.s32 @!p0 $0xD  }
0xe3: {  	_ =	swait.ge @!p0 [sflag:s0], s1  }
0xe4: {  	s1 =	ssub.s32 @!p0 $0x0, s1;
	[sflag:s0] =	ssyncset.done @!p0 $0x0  }
0xe5: {  	[sflag:s0] =	ssyncadd.s32 @!p0 s1  }
0xe6: {  	[bflag:$0x3] =	sbarrier.arrive $0xFFFF  }
0xe7: {  	_ =	shalt  }

</sc_bundles>
